<compile_context>
chip_gen: v7x
topology: tpu7x:2x2x1
jax: 0.10.2.dev20260603
libtpu: 0.0.44.dev20260713+nightly
codegen_flags: <defaults>
</compile_context>

<pallas_src>
import jax
import jax.numpy as jnp
from jax import lax
from jax.experimental import pallas as pl
from jax.experimental.pallas import tpu as pltpu
from jax.experimental.pallas import tpu_sc as plsc

CHUNK_Q = 81
NCLS = 20
QPAD = 1664
NCOMP = 8
NLANE = 16
NSC = 2
NSUB = 16
NT = 32
SIDE = 6 * NT + NT + NLANE


def _prod3(x, y, z):
    return (x * y) * z


def _matcher_body(boxes_f, logit_f, side, out,
                  blk_v, blg_v, sd_v, o_v, sem_b, sem_g, sem_s):
    wid = lax.axis_index("s") * NSC + lax.axis_index("c")
    base = wid * NLANE
    b = wid // 2
    t0 = (wid % 2) * NLANE

    cp_b = pltpu.async_copy(boxes_f.at[b], blk_v, sem_b)
    cp_g = pltpu.async_copy(logit_f.at[b], blg_v, sem_g)
    cp_s = pltpu.async_copy(side.at[b], sd_v, sem_s)

    lanes = lax.iota(jnp.int32, NLANE)

    cp_s.wait()
    labs = plsc.load_gather(
        sd_v, [lanes + (6 * NT + t0)]).astype(jnp.int32)
    r = lax.rem(labs - 1, NCLS)
    cid = jnp.where(r < 0, r + NCLS, r)
    cid81 = cid * CHUNK_Q

    wc = plsc.load_gather(sd_v, [jnp.full((NLANE,), 7 * NT, jnp.int32)])
    wb = plsc.load_gather(sd_v, [jnp.full((NLANE,), 7 * NT + 1, jnp.int32)])
    wg = plsc.load_gather(sd_v, [jnp.full((NLANE,), 7 * NT + 2, jnp.int32)])

    tg = [plsc.load_gather(sd_v, [lanes + (d * NT + t0)]) for d in range(6)]
    th = [tg[3 + i] * 0.5 for i in range(3)]
    t_lo = [tg[i] - th[i] for i in range(3)]
    t_hi = [tg[i] + th[i] for i in range(3)]
    vol2 = _prod3(*[jnp.maximum(t_hi[i] - t_lo[i], 0.0) for i in range(3)])

    cp_b.wait()
    cp_g.wait()

    def body(k, carry):
        bval, bix = carry

        def g(d):
            return plsc.load_gather(blk_v, [cid81 + (d * QPAD + k)])

        bx = [g(d) for d in range(6)]
        l0 = plsc.load_gather(blg_v, [cid81 + k])
        l1 = plsc.load_gather(blg_v, [cid81 + (QPAD + k)])

        c_class = -1.0 / (1.0 + jnp.exp(l0 - l1))

        c_bbox = (jnp.abs(bx[0] - tg[0]) + jnp.abs(bx[1] - tg[1])
                  + jnp.abs(bx[2] - tg[2]) + jnp.abs(bx[3] - tg[3])
                  + jnp.abs(bx[4] - tg[4]) + jnp.abs(bx[5] - tg[5]))

        cb = [jnp.maximum(bx[i], 0.0) for i in range(6)]
        hw = [cb[3 + i] * 0.5 for i in range(3)]
        p_lo = [cb[i] - hw[i] for i in range(3)]
        p_hi = [cb[i] + hw[i] for i in range(3)]
        vol1 = _prod3(*[jnp.maximum(p_hi[i] - p_lo[i], 0.0) for i in range(3)])
        inter = _prod3(*[jnp.maximum(jnp.minimum(p_hi[i], t_hi[i])
                                     - jnp.maximum(p_lo[i], t_lo[i]), 0.0)
                         for i in range(3)])
        union = vol1 + vol2 - inter
        vole = _prod3(*[jnp.maximum(jnp.maximum(p_hi[i], t_hi[i])
                                    - jnp.minimum(p_lo[i], t_lo[i]), 0.0)
                        for i in range(3)])
        uc = jnp.maximum(union, 1e-7)
        vc = jnp.maximum(vole, 1e-7)
        giou = (inter * vc - (vole - union) * uc) / (uc * vc)

        cost = wb * c_bbox + wc * c_class - wg * giou
        kv = jnp.full((NLANE,), k, jnp.int32)
        upd = cost < bval
        return jnp.where(upd, cost, bval), jnp.where(upd, kv, bix)

    init = (jnp.full((NLANE,), jnp.inf, jnp.float32),
            jnp.zeros((NLANE,), jnp.int32))
    _, best = lax.fori_loop(0, CHUNK_Q, body, init, unroll=3)

    zeros = jnp.zeros((NLANE,), jnp.int32)
    plsc.store_scatter(o_v, [lanes, zeros], cid)
    plsc.store_scatter(o_v, [lanes, zeros + 1], best + cid81)
    pltpu.sync_copy(o_v, out.at[b, pl.ds(t0, NLANE)])


def kernel(pred_logits, pred_boxes, tgt_labels, tgt_boxes, anchors,
           cost_class=1.0, cost_bbox=1.0, cost_giou=1.0):
    bs, nq, _nc = pred_logits.shape
    nt = tgt_labels.shape[1]
    ntot = bs * nt

    boxes_f = jnp.pad(pred_boxes.transpose(0, 2, 1),
                      ((0, 0), (0, 0), (0, QPAD - nq))).reshape(bs, 6 * QPAD)
    logit_f = jnp.pad(pred_logits.transpose(0, 2, 1),
                      ((0, 0), (0, 0), (0, QPAD - nq))).reshape(bs, 2 * QPAD)

    tgt_cm = tgt_boxes.transpose(0, 2, 1).reshape(bs, 6 * nt)
    lab_f = tgt_labels.astype(jnp.float32)
    w_row = jnp.tile(
        jnp.stack([cost_class, cost_bbox, cost_giou] +
                  [jnp.float32(0)] * (NLANE - 3))[None, :], (bs, 1))
    side = jnp.concatenate([tgt_cm, lab_f, w_row], axis=1)

    fn = pl.kernel(
        _matcher_body,
        out_type=jax.ShapeDtypeStruct((bs, nt, 2), jnp.int32),
        mesh=plsc.VectorSubcoreMesh(core_axis_name="c", subcore_axis_name="s",
                                    num_cores=NSC, num_subcores=NSUB),
        scratch_types=(
            pltpu.VMEM((6 * QPAD,), jnp.float32),
            pltpu.VMEM((2 * QPAD,), jnp.float32),
            pltpu.VMEM((SIDE,), jnp.float32),
            pltpu.VMEM((NLANE, 2), jnp.int32),
            pltpu.SemaphoreType.DMA,
            pltpu.SemaphoreType.DMA,
            pltpu.SemaphoreType.DMA,
        ),
        compiler_params=pltpu.CompilerParams(use_tc_tiling_on_sc=False,
                                             needs_layout_passes=False),
    )
    return fn(boxes_f, logit_f, side)

# --- scband reference (transcript-rebuilt; emitter-appended) ---
"""Pipeline reference for scband-hungarian-matcher-20736102105833 (READ-ONLY COPY).

The authoritative reference and input builder live on the scoring server;
editing this copy changes nothing except your own understanding.
"""

import jax, jax.numpy as jnp
import numpy as np

CHUNK = 27 * 3  # 81 queries per class chunk


def box_cxcyczwhd_to_xyzxyz(b):
    cxyz = b[..., :3]
    whd = b[..., 3:]
    return jnp.concatenate([cxyz - 0.5 * whd, cxyz + 0.5 * whd], axis=-1)


def generalized_bbox_iou_3d(b1, b2):
    # b1, b2: broadcastable [..., 6] in xyzxyz format; elementwise GIoU-3D
    vol1 = jnp.prod(jnp.clip(b1[..., 3:] - b1[..., :3], 0.0), axis=-1)
    vol2 = jnp.prod(jnp.clip(b2[..., 3:] - b2[..., :3], 0.0), axis=-1)
    lt = jnp.maximum(b1[..., :3], b2[..., :3])
    rb = jnp.minimum(b1[..., 3:], b2[..., 3:])
    inter = jnp.prod(jnp.clip(rb - lt, 0.0), axis=-1)
    union = vol1 + vol2 - inter
    iou = inter / jnp.clip(union, 1e-7)
    lte = jnp.minimum(b1[..., :3], b2[..., :3])
    rbe = jnp.maximum(b1[..., 3:], b2[..., 3:])
    vole = jnp.prod(jnp.clip(rbe - lte, 0.0), axis=-1)
    return iou - (vole - union) / jnp.clip(vole, 1e-7)


def setup_inputs(seed=0) -> dict:
    key = jax.random.key(seed)
    ks = jax.random.split(key, 5)
    bs, nq, nc, nt = 16, 1620, 2, 32
    pred_logits = jax.random.normal(ks[0], (bs, nq, nc), dtype=jnp.float32)
    pred_boxes = jax.random.uniform(ks[1], (bs, nq, 6), dtype=jnp.float32)
    tgt_labels = jax.random.randint(ks[2], (bs, nt), 0, 20, dtype=jnp.int32)
    tgt_boxes = jax.random.uniform(ks[3], (bs, nt, 6), dtype=jnp.float32)
    anchors = jax.random.uniform(ks[4], (nq, 6), dtype=jnp.float32)
    return {"pred_logits": pred_logits, "pred_boxes": pred_boxes,
            "tgt_labels": tgt_labels, "tgt_boxes": tgt_boxes, "anchors": anchors,
            "cost_class": jnp.float32(1.0), "cost_bbox": jnp.float32(1.0),
            "cost_giou": jnp.float32(1.0)}


def reference(pred_logits, pred_boxes, tgt_labels, tgt_boxes, anchors,
              cost_class=1.0, cost_bbox=1.0, cost_giou=1.0):
    bs, nq, nc = pred_logits.shape
    ncls = nq // CHUNK  # == 20, matches the assert in the torch module
    probs = jax.nn.softmax(pred_logits, axis=-1).reshape(bs, ncls, CHUNK, nc)
    boxes = pred_boxes.reshape(bs, ncls, CHUNK, 6)
    # tgt_id = label - 1; python negative indexing (label 0 -> chunk 19) == modulo
    cids = jnp.mod(tgt_labels.astype(jnp.int32) - 1, ncls)  # [bs, nt]
    cls_boxes = jnp.take_along_axis(boxes, cids[:, :, None, None], axis=1)  # [bs, nt, CHUNK, 6]
    cls_probs = jnp.take_along_axis(probs, cids[:, :, None, None], axis=1)  # [bs, nt, CHUNK, nc]
    c_class = -cls_probs[..., -1]  # [bs, nt, CHUNK]
    c_bbox = jnp.abs(cls_boxes - tgt_boxes[:, :, None, :]).sum(axis=-1)  # L1 cdist, [bs, nt, CHUNK]
    giou = generalized_bbox_iou_3d(
        box_cxcyczwhd_to_xyzxyz(jnp.clip(cls_boxes, 0.0)),
        box_cxcyczwhd_to_xyzxyz(tgt_boxes[:, :, None, :]))
    C = cost_bbox * c_bbox + cost_class * c_class - cost_giou * giou  # [bs, nt, CHUNK]
    best = jnp.argmin(C, axis=-1).astype(jnp.int32)  # [bs, nt]
    query_idx = best + cids * CHUNK
    matches = jnp.stack([cids, query_idx], axis=-1).astype(jnp.int32)  # [bs, nt, 2]
    return matches

if __name__ == "__main__":
    import jax
    _d = setup_inputs()
    print(jax.jit(kernel)(*tuple(_d.values())))

</pallas_src>

<mosaic_0001>
#map = affine_map<(d0, d1) -> (0, 0)>
#map1 = affine_map<(d0, d1) -> (0, 0, 0)>
module attributes {stable_mosaic.version = 14 : i64} {
  func.func @_matcher_body(%arg0: i32, %arg1: i32, %arg2: memref<16x9984xf32, #tpu.memory_space<hbm>>, %arg3: memref<16x3328xf32, #tpu.memory_space<hbm>>, %arg4: memref<16x240xf32, #tpu.memory_space<hbm>>, %arg5: memref<16x32x2xi32, #tpu.memory_space<hbm>>, %arg6: memref<9984xf32, #tpu.memory_space<vmem>>, %arg7: memref<3328xf32, #tpu.memory_space<vmem>>, %arg8: memref<240xf32, #tpu.memory_space<vmem>>, %arg9: memref<16x2xi32, #tpu.memory_space<vmem>>, %arg10: memref<!tpu.dma_semaphore, #tpu.memory_space<semaphore_mem>>, %arg11: memref<!tpu.dma_semaphore, #tpu.memory_space<semaphore_mem>>, %arg12: memref<!tpu.dma_semaphore, #tpu.memory_space<semaphore_mem>>) attributes {dimension_semantics = [#tpu.dimension_semantics<core_parallel>, #tpu.dimension_semantics<subcore_parallel>], iteration_bounds = array<i64: 2, 16>, scalar_prefetch = 0 : i64, scratch_operands = 7 : i64, tpu.core_type = #tpu.core_type<sc_vector_subcore>, window_params = [{transform_indices = #map}, {transform_indices = #map}, {transform_indices = #map}, {transform_indices = #map1}]} {
    %mul3A = arith.constant 2 : i32
    %mul3A_0 = arith.muli %arg1, %mul3A : i32
    %add3A = arith.addi %mul3A_0, %arg0 : i32
    %mul3A_1 = arith.constant 16 : i32
    %mul3A_2 = arith.muli %add3A, %mul3A_1 : i32
    %jit3A = arith.constant 2 : i32
    %div3A = arith.divsi %add3A, %jit3A : i32
    %sign3A = arith.constant 0 : i32
    %sign3A_3 = arith.cmpi sgt, %add3A, %sign3A : i32
    %sign3A_4 = arith.extui %sign3A_3 : i1 to i32
    %sign3A_5 = arith.constant 0 : i32
    %sign3A_6 = arith.cmpi slt, %add3A, %sign3A_5 : i32
    %sign3A_7 = arith.extui %sign3A_6 : i1 to i32
    %sign3A_8 = arith.subi %sign3A_4, %sign3A_7 : i32
    %sign3A_9 = arith.constant 0 : i32
    %sign3A_10 = arith.cmpi sgt, %jit3A, %sign3A_9 : i32
    %sign3A_11 = arith.extui %sign3A_10 : i1 to i32
    %sign3A_12 = arith.constant 0 : i32
    %sign3A_13 = arith.cmpi slt, %jit3A, %sign3A_12 : i32
    %sign3A_14 = arith.extui %sign3A_13 : i1 to i32
    %sign3A_15 = arith.subi %sign3A_11, %sign3A_14 : i32
    %ne3A = arith.cmpi ne, %sign3A_8, %sign3A_15 : i32
    %rem3A = arith.remsi %add3A, %jit3A : i32
    %ne3A_16 = arith.constant 0 : i32
    %ne3A_17 = arith.cmpi ne, %rem3A, %ne3A_16 : i32
    %and3A = arith.andi %ne3A, %ne3A_17 : i1
    %sub3A = arith.constant 1 : i32
    %sub3A_18 = arith.subi %div3A, %sub3A : i32
    %select_n3A = arith.select %and3A, %sub3A_18, %div3A : i32
    %jit3A_19 = arith.constant 2 : i32
    %eq3A = arith.constant 0 : i32
    %eq3A_20 = arith.cmpi eq, %jit3A_19, %eq3A : i32
    %jit3A_21 = arith.constant 1 : i32
    %select_n3A_22 = arith.select %eq3A_20, %jit3A_21, %jit3A_19 : i32
    %rem3A_23 = arith.remsi %add3A, %select_n3A_22 : i32
    %ne3A_24 = arith.constant 0 : i32
    %ne3A_25 = arith.cmpi ne, %rem3A_23, %ne3A_24 : i32
    %lt3A = arith.constant 0 : i32
    %lt3A_26 = arith.cmpi slt, %rem3A_23, %lt3A : i32
    %lt3A_27 = arith.constant 0 : i32
    %lt3A_28 = arith.cmpi slt, %select_n3A_22, %lt3A_27 : i32
    %ne3A_29 = arith.xori %lt3A_26, %lt3A_28 : i1
    %and3A_30 = arith.andi %ne3A_29, %ne3A_25 : i1
    %add3A_31 = arith.addi %rem3A_23, %select_n3A_22 : i32
    %select_n3A_32 = arith.select %and3A_30, %add3A_31, %rem3A_23 : i32
    %mul3A_33 = arith.constant 16 : i32
    %mul3A_34 = arith.muli %select_n3A_32, %mul3A_33 : i32
    %dma_start3A = arith.constant 0 : i32
    %dma_start3A_35 = tpu.memref_slice %arg2[%select_n3A, %dma_start3A] : memref<16x9984xf32, #tpu.memory_space<hbm>> -> memref<1x9984xf32, #tpu.memory_space<hbm>>
    %dma_start3A_36 = tpu.memref_squeeze %dma_start3A_35 : memref<1x9984xf32, #tpu.memory_space<hbm>> -> memref<9984xf32, #tpu.memory_space<hbm>>
    %dma_start3A_37 = arith.constant 0 : i32
    %dma_start3A_38 = tpu.memref_slice %arg2[%select_n3A, %dma_start3A_37] : memref<16x9984xf32, #tpu.memory_space<hbm>> -> memref<1x9984xf32, #tpu.memory_space<hbm>>
    %dma_start3A_39 = tpu.memref_squeeze %dma_start3A_38 : memref<1x9984xf32, #tpu.memory_space<hbm>> -> memref<9984xf32, #tpu.memory_space<hbm>>
    tpu.enqueue_dma source(%dma_start3A_39 : memref<9984xf32, #tpu.memory_space<hbm>>) target(%arg6 : memref<9984xf32, #tpu.memory_space<vmem>>) target_semaphore(%arg10 : memref<!tpu.dma_semaphore, #tpu.memory_space<semaphore_mem>>)
    %dma_start3A_40 = arith.constant 0 : i32
    %dma_start3A_41 = tpu.memref_slice %arg3[%select_n3A, %dma_start3A_40] : memref<16x3328xf32, #tpu.memory_space<hbm>> -> memref<1x3328xf32, #tpu.memory_space<hbm>>
    %dma_start3A_42 = tpu.memref_squeeze %dma_start3A_41 : memref<1x3328xf32, #tpu.memory_space<hbm>> -> memref<3328xf32, #tpu.memory_space<hbm>>
    %dma_start3A_43 = arith.constant 0 : i32
    %dma_start3A_44 = tpu.memref_slice %arg3[%select_n3A, %dma_start3A_43] : memref<16x3328xf32, #tpu.memory_space<hbm>> -> memref<1x3328xf32, #tpu.memory_space<hbm>>
    %dma_start3A_45 = tpu.memref_squeeze %dma_start3A_44 : memref<1x3328xf32, #tpu.memory_space<hbm>> -> memref<3328xf32, #tpu.memory_space<hbm>>
    tpu.enqueue_dma source(%dma_start3A_45 : memref<3328xf32, #tpu.memory_space<hbm>>) target(%arg7 : memref<3328xf32, #tpu.memory_space<vmem>>) target_semaphore(%arg11 : memref<!tpu.dma_semaphore, #tpu.memory_space<semaphore_mem>>)
    %dma_start3A_46 = arith.constant 0 : i32
    %dma_start3A_47 = tpu.memref_slice %arg4[%select_n3A, %dma_start3A_46] : memref<16x240xf32, #tpu.memory_space<hbm>> -> memref<1x240xf32, #tpu.memory_space<hbm>>
    %dma_start3A_48 = tpu.memref_squeeze %dma_start3A_47 : memref<1x240xf32, #tpu.memory_space<hbm>> -> memref<240xf32, #tpu.memory_space<hbm>>
    %dma_start3A_49 = arith.constant 0 : i32
    %dma_start3A_50 = tpu.memref_slice %arg4[%select_n3A, %dma_start3A_49] : memref<16x240xf32, #tpu.memory_space<hbm>> -> memref<1x240xf32, #tpu.memory_space<hbm>>
    %dma_start3A_51 = tpu.memref_squeeze %dma_start3A_50 : memref<1x240xf32, #tpu.memory_space<hbm>> -> memref<240xf32, #tpu.memory_space<hbm>>
    tpu.enqueue_dma source(%dma_start3A_51 : memref<240xf32, #tpu.memory_space<hbm>>) target(%arg8 : memref<240xf32, #tpu.memory_space<vmem>>) target_semaphore(%arg12 : memref<!tpu.dma_semaphore, #tpu.memory_space<semaphore_mem>>)
    %iota3A = tpu.iota {dimensions = array<i32: 0>} : vector<16xi32>
    %dma_wait3A = arith.constant 0 : i32
    %dma_wait3A_52 = tpu.memref_slice %arg4[%select_n3A, %dma_wait3A] : memref<16x240xf32, #tpu.memory_space<hbm>> -> memref<1x240xf32, #tpu.memory_space<hbm>>
    %dma_wait3A_53 = tpu.memref_squeeze %dma_wait3A_52 : memref<1x240xf32, #tpu.memory_space<hbm>> -> memref<240xf32, #tpu.memory_space<hbm>>
    %dma_wait3A_54 = arith.constant 0 : i32
    %dma_wait3A_55 = tpu.memref_slice %arg4[%select_n3A, %dma_wait3A_54] : memref<16x240xf32, #tpu.memory_space<hbm>> -> memref<1x240xf32, #tpu.memory_space<hbm>>
    %dma_wait3A_56 = tpu.memref_squeeze %dma_wait3A_55 : memref<1x240xf32, #tpu.memory_space<hbm>> -> memref<240xf32, #tpu.memory_space<hbm>>
    tpu.wait_dma2 semaphore(%arg12 : memref<!tpu.dma_semaphore, #tpu.memory_space<semaphore_mem>>) src(%dma_wait3A_56 : memref<240xf32, #tpu.memory_space<hbm>>) dst(%arg8 : memref<240xf32, #tpu.memory_space<vmem>>)
    %add3A_57 = arith.constant 192 : i32
    %add3A_58 = arith.addi %add3A_57, %mul3A_34 : i32
    %add3A_59 = vector.broadcast %add3A_58 : i32 to vector<16xi32>
    %add3A_60 = arith.addi %iota3A, %add3A_59 : vector<16xi32>
    %gather3A = tpu.vector_load_idx %arg8[%add3A_60] : memref<240xf32, #tpu.memory_space<vmem>>[vector<16xi32>], vector<16xf32>,
    %convert_element_type3A = arith.fptosi %gather3A : vector<16xf32> to vector<16xi32>
    %sub3A_61 = arith.constant 1 : i32
    %sub3A_62 = vector.broadcast %sub3A_61 : i32 to vector<16xi32>
    %sub3A_63 = arith.subi %convert_element_type3A, %sub3A_62 : vector<16xi32>
    %rem3A_64 = arith.constant 20 : i32
    %rem3A_65 = vector.broadcast %rem3A_64 : i32 to vector<16xi32>
    %rem3A_66 = arith.remsi %sub3A_63, %rem3A_65 : vector<16xi32>
    %lt3A_67 = arith.constant 0 : i32
    %lt3A_68 = vector.broadcast %lt3A_67 : i32 to vector<16xi32>
    %lt3A_69 = arith.cmpi slt, %rem3A_66, %lt3A_68 : vector<16xi32>
    %add3A_70 = arith.constant 20 : i32
    %add3A_71 = vector.broadcast %add3A_70 : i32 to vector<16xi32>
    %add3A_72 = arith.addi %rem3A_66, %add3A_71 : vector<16xi32>
    %select_n3A_73 = arith.select %lt3A_69, %add3A_72, %rem3A_66 : vector<16xi1>, vector<16xi32>
    %mul3A_74 = arith.constant 81 : i32
    %mul3A_75 = vector.broadcast %mul3A_74 : i32 to vector<16xi32>
    %mul3A_76 = arith.muli %select_n3A_73, %mul3A_75 : vector<16xi32>
    %broadcast_in_dim3A = arith.constant 224 : i32
    %broadcast_in_dim3A_77 = vector.broadcast %broadcast_in_dim3A : i32 to vector<16xi32>
    %gather3A_78 = tpu.vector_load_idx %arg8[%broadcast_in_dim3A_77] : memref<240xf32, #tpu.memory_space<vmem>>[vector<16xi32>], vector<16xf32>,
    %broadcast_in_dim3A_79 = arith.constant 225 : i32
    %broadcast_in_dim3A_80 = vector.broadcast %broadcast_in_dim3A_79 : i32 to vector<16xi32>
    %gather3A_81 = tpu.vector_load_idx %arg8[%broadcast_in_dim3A_80] : memref<240xf32, #tpu.memory_space<vmem>>[vector<16xi32>], vector<16xf32>,
    %broadcast_in_dim3A_82 = arith.constant 226 : i32
    %broadcast_in_dim3A_83 = vector.broadcast %broadcast_in_dim3A_82 : i32 to vector<16xi32>
    %gather3A_84 = tpu.vector_load_idx %arg8[%broadcast_in_dim3A_83] : memref<240xf32, #tpu.memory_space<vmem>>[vector<16xi32>], vector<16xf32>,
    %add3A_85 = arith.constant 0 : i32
    %add3A_86 = arith.addi %add3A_85, %mul3A_34 : i32
    %add3A_87 = vector.broadcast %add3A_86 : i32 to vector<16xi32>
    %add3A_88 = arith.addi %iota3A, %add3A_87 : vector<16xi32>
    %gather3A_89 = tpu.vector_load_idx %arg8[%add3A_88] : memref<240xf32, #tpu.memory_space<vmem>>[vector<16xi32>], vector<16xf32>,
    %add3A_90 = arith.constant 32 : i32
    %add3A_91 = arith.addi %add3A_90, %mul3A_34 : i32
    %add3A_92 = vector.broadcast %add3A_91 : i32 to vector<16xi32>
    %add3A_93 = arith.addi %iota3A, %add3A_92 : vector<16xi32>
    %gather3A_94 = tpu.vector_load_idx %arg8[%add3A_93] : memref<240xf32, #tpu.memory_space<vmem>>[vector<16xi32>], vector<16xf32>,
    %add3A_95 = arith.constant 64 : i32
    %add3A_96 = arith.addi %add3A_95, %mul3A_34 : i32
    %add3A_97 = vector.broadcast %add3A_96 : i32 to vector<16xi32>
    %add3A_98 = arith.addi %iota3A, %add3A_97 : vector<16xi32>
    %gather3A_99 = tpu.vector_load_idx %arg8[%add3A_98] : memref<240xf32, #tpu.memory_space<vmem>>[vector<16xi32>], vector<16xf32>,
    %add3A_100 = arith.constant 96 : i32
    %add3A_101 = arith.addi %add3A_100, %mul3A_34 : i32
    %add3A_102 = vector.broadcast %add3A_101 : i32 to vector<16xi32>
    %add3A_103 = arith.addi %iota3A, %add3A_102 : vector<16xi32>
    %gather3A_104 = tpu.vector_load_idx %arg8[%add3A_103] : memref<240xf32, #tpu.memory_space<vmem>>[vector<16xi32>], vector<16xf32>,
    %add3A_105 = arith.constant 128 : i32
    %add3A_106 = arith.addi %add3A_105, %mul3A_34 : i32
    %add3A_107 = vector.broadcast %add3A_106 : i32 to vector<16xi32>
    %add3A_108 = arith.addi %iota3A, %add3A_107 : vector<16xi32>
    %gather3A_109 = tpu.vector_load_idx %arg8[%add3A_108] : memref<240xf32, #tpu.memory_space<vmem>>[vector<16xi32>], vector<16xf32>,
    %add3A_110 = arith.constant 160 : i32
    %add3A_111 = arith.addi %add3A_110, %mul3A_34 : i32
    %add3A_112 = vector.broadcast %add3A_111 : i32 to vector<16xi32>
    %add3A_113 = arith.addi %iota3A, %add3A_112 : vector<16xi32>
    %gather3A_114 = tpu.vector_load_idx %arg8[%add3A_113] : memref<240xf32, #tpu.memory_space<vmem>>[vector<16xi32>], vector<16xf32>,
    %mul3A_115 = arith.constant 5.000000e-01 : f32
    %mul3A_116 = vector.broadcast %mul3A_115 : f32 to vector<16xf32>
    %mul3A_117 = arith.mulf %gather3A_104, %mul3A_116 : vector<16xf32>
    %mul3A_118 = arith.constant 5.000000e-01 : f32
    %mul3A_119 = vector.broadcast %mul3A_118 : f32 to vector<16xf32>
    %mul3A_120 = arith.mulf %gather3A_109, %mul3A_119 : vector<16xf32>
    %mul3A_121 = arith.constant 5.000000e-01 : f32
    %mul3A_122 = vector.broadcast %mul3A_121 : f32 to vector<16xf32>
    %mul3A_123 = arith.mulf %gather3A_114, %mul3A_122 : vector<16xf32>
    %sub3A_124 = arith.subf %gather3A_89, %mul3A_117 : vector<16xf32>
    %sub3A_125 = arith.subf %gather3A_94, %mul3A_120 : vector<16xf32>
    %sub3A_126 = arith.subf %gather3A_99, %mul3A_123 : vector<16xf32>
    %add3A_127 = arith.addf %gather3A_89, %mul3A_117 : vector<16xf32>
    %add3A_128 = arith.addf %gather3A_94, %mul3A_120 : vector<16xf32>
    %add3A_129 = arith.addf %gather3A_99, %mul3A_123 : vector<16xf32>
    %sub3A_130 = arith.subf %add3A_127, %sub3A_124 : vector<16xf32>
    %max3A = arith.constant 0.000000e+00 : f32
    %max3A_131 = vector.broadcast %max3A : f32 to vector<16xf32>
    %max3A_132 = arith.maximumf %sub3A_130, %max3A_131 : vector<16xf32>
    %sub3A_133 = arith.subf %add3A_128, %sub3A_125 : vector<16xf32>
    %max3A_134 = arith.constant 0.000000e+00 : f32
    %max3A_135 = vector.broadcast %max3A_134 : f32 to vector<16xf32>
    %max3A_136 = arith.maximumf %sub3A_133, %max3A_135 : vector<16xf32>
    %sub3A_137 = arith.subf %add3A_129, %sub3A_126 : vector<16xf32>
    %max3A_138 = arith.constant 0.000000e+00 : f32
    %max3A_139 = vector.broadcast %max3A_138 : f32 to vector<16xf32>
    %max3A_140 = arith.maximumf %sub3A_137, %max3A_139 : vector<16xf32>
    %mul3A_141 = arith.mulf %max3A_132, %max3A_136 : vector<16xf32>
    %mul3A_142 = arith.mulf %mul3A_141, %max3A_140 : vector<16xf32>
    %dma_wait3A_143 = arith.constant 0 : i32
    %dma_wait3A_144 = tpu.memref_slice %arg2[%select_n3A, %dma_wait3A_143] : memref<16x9984xf32, #tpu.memory_space<hbm>> -> memref<1x9984xf32, #tpu.memory_space<hbm>>
    %dma_wait3A_145 = tpu.memref_squeeze %dma_wait3A_144 : memref<1x9984xf32, #tpu.memory_space<hbm>> -> memref<9984xf32, #tpu.memory_space<hbm>>
    %dma_wait3A_146 = arith.constant 0 : i32
    %dma_wait3A_147 = tpu.memref_slice %arg2[%select_n3A, %dma_wait3A_146] : memref<16x9984xf32, #tpu.memory_space<hbm>> -> memref<1x9984xf32, #tpu.memory_space<hbm>>
    %dma_wait3A_148 = tpu.memref_squeeze %dma_wait3A_147 : memref<1x9984xf32, #tpu.memory_space<hbm>> -> memref<9984xf32, #tpu.memory_space<hbm>>
    tpu.wait_dma2 semaphore(%arg10 : memref<!tpu.dma_semaphore, #tpu.memory_space<semaphore_mem>>) src(%dma_wait3A_148 : memref<9984xf32, #tpu.memory_space<hbm>>) dst(%arg6 : memref<9984xf32, #tpu.memory_space<vmem>>)
    %dma_wait3A_149 = arith.constant 0 : i32
    %dma_wait3A_150 = tpu.memref_slice %arg3[%select_n3A, %dma_wait3A_149] : memref<16x3328xf32, #tpu.memory_space<hbm>> -> memref<1x3328xf32, #tpu.memory_space<hbm>>
    %dma_wait3A_151 = tpu.memref_squeeze %dma_wait3A_150 : memref<1x3328xf32, #tpu.memory_space<hbm>> -> memref<3328xf32, #tpu.memory_space<hbm>>
    %dma_wait3A_152 = arith.constant 0 : i32
    %dma_wait3A_153 = tpu.memref_slice %arg3[%select_n3A, %dma_wait3A_152] : memref<16x3328xf32, #tpu.memory_space<hbm>> -> memref<1x3328xf32, #tpu.memory_space<hbm>>
    %dma_wait3A_154 = tpu.memref_squeeze %dma_wait3A_153 : memref<1x3328xf32, #tpu.memory_space<hbm>> -> memref<3328xf32, #tpu.memory_space<hbm>>
    tpu.wait_dma2 semaphore(%arg11 : memref<!tpu.dma_semaphore, #tpu.memory_space<semaphore_mem>>) src(%dma_wait3A_154 : memref<3328xf32, #tpu.memory_space<hbm>>) dst(%arg7 : memref<3328xf32, #tpu.memory_space<vmem>>)
    %broadcast_in_dim3A_155 = arith.constant 0x7F800000 : f32
    %broadcast_in_dim3A_156 = vector.broadcast %broadcast_in_dim3A_155 : f32 to vector<16xf32>
    %broadcast_in_dim3A_157 = arith.constant 0 : i32
    %broadcast_in_dim3A_158 = vector.broadcast %broadcast_in_dim3A_157 : i32 to vector<16xi32>
    %scan3A = arith.constant 0 : i32
    %scan3A_159 = arith.constant 81 : i32
    %scan3A_160 = arith.addi %scan3A, %scan3A_159 : i32
    %scan3A_161 = arith.constant 3 : i32
    %scan3A_162:2 = scf.for %scan3A_170 = %scan3A to %scan3A_160 step %scan3A_161 iter_args(%scan3A_171 = %broadcast_in_dim3A_156, %scan3A_172 = %broadcast_in_dim3A_158) -> (vector<16xf32>, vector<16xi32>)  : i32 {
      %add3A_173 = arith.constant 0 : i32
      %add3A_174 = arith.addi %add3A_173, %scan3A_170 : i32
      %add3A_175 = vector.broadcast %add3A_174 : i32 to vector<16xi32>
      %add3A_176 = arith.addi %mul3A_76, %add3A_175 : vector<16xi32>
      %gather3A_177 = tpu.vector_load_idx %arg6[%add3A_176] : memref<9984xf32, #tpu.memory_space<vmem>>[vector<16xi32>], vector<16xf32>,
      %add3A_178 = arith.constant 1664 : i32
      %add3A_179 = arith.addi %add3A_178, %scan3A_170 : i32
      %add3A_180 = vector.broadcast %add3A_179 : i32 to vector<16xi32>
      %add3A_181 = arith.addi %mul3A_76, %add3A_180 : vector<16xi32>
      %gather3A_182 = tpu.vector_load_idx %arg6[%add3A_181] : memref<9984xf32, #tpu.memory_space<vmem>>[vector<16xi32>], vector<16xf32>,
      %add3A_183 = arith.constant 3328 : i32
      %add3A_184 = arith.addi %add3A_183, %scan3A_170 : i32
      %add3A_185 = vector.broadcast %add3A_184 : i32 to vector<16xi32>
      %add3A_186 = arith.addi %mul3A_76, %add3A_185 : vector<16xi32>
      %gather3A_187 = tpu.vector_load_idx %arg6[%add3A_186] : memref<9984xf32, #tpu.memory_space<vmem>>[vector<16xi32>], vector<16xf32>,
      %add3A_188 = arith.constant 4992 : i32
      %add3A_189 = arith.addi %add3A_188, %scan3A_170 : i32
      %add3A_190 = vector.broadcast %add3A_189 : i32 to vector<16xi32>
      %add3A_191 = arith.addi %mul3A_76, %add3A_190 : vector<16xi32>
      %gather3A_192 = tpu.vector_load_idx %arg6[%add3A_191] : memref<9984xf32, #tpu.memory_space<vmem>>[vector<16xi32>], vector<16xf32>,
      %add3A_193 = arith.constant 6656 : i32
      %add3A_194 = arith.addi %add3A_193, %scan3A_170 : i32
      %add3A_195 = vector.broadcast %add3A_194 : i32 to vector<16xi32>
      %add3A_196 = arith.addi %mul3A_76, %add3A_195 : vector<16xi32>
      %gather3A_197 = tpu.vector_load_idx %arg6[%add3A_196] : memref<9984xf32, #tpu.memory_space<vmem>>[vector<16xi32>], vector<16xf32>,
      %add3A_198 = arith.constant 8320 : i32
      %add3A_199 = arith.addi %add3A_198, %scan3A_170 : i32
      %add3A_200 = vector.broadcast %add3A_199 : i32 to vector<16xi32>
      %add3A_201 = arith.addi %mul3A_76, %add3A_200 : vector<16xi32>
      %gather3A_202 = tpu.vector_load_idx %arg6[%add3A_201] : memref<9984xf32, #tpu.memory_space<vmem>>[vector<16xi32>], vector<16xf32>,
      %add3A_203 = vector.broadcast %scan3A_170 : i32 to vector<16xi32>
      %add3A_204 = arith.addi %mul3A_76, %add3A_203 : vector<16xi32>
      %gather3A_205 = tpu.vector_load_idx %arg7[%add3A_204] : memref<3328xf32, #tpu.memory_space<vmem>>[vector<16xi32>], vector<16xf32>,
      %add3A_206 = arith.constant 1664 : i32
      %add3A_207 = arith.addi %add3A_206, %scan3A_170 : i32
      %add3A_208 = vector.broadcast %add3A_207 : i32 to vector<16xi32>
      %add3A_209 = arith.addi %mul3A_76, %add3A_208 : vector<16xi32>
      %gather3A_210 = tpu.vector_load_idx %arg7[%add3A_209] : memref<3328xf32, #tpu.memory_space<vmem>>[vector<16xi32>], vector<16xf32>,
      %sub3A_211 = arith.subf %gather3A_205, %gather3A_210 : vector<16xf32>
      %exp3A = math.exp %sub3A_211 : vector<16xf32>
      %add3A_212 = arith.constant 1.000000e+00 : f32
      %add3A_213 = vector.broadcast %add3A_212 : f32 to vector<16xf32>
      %add3A_214 = arith.addf %add3A_213, %exp3A : vector<16xf32>
      %div3A_215 = arith.constant -1.000000e+00 : f32
      %div3A_216 = vector.broadcast %div3A_215 : f32 to vector<16xf32>
      %div3A_217 = arith.divf %div3A_216, %add3A_214 : vector<16xf32>
      %sub3A_218 = arith.subf %gather3A_177, %gather3A_89 : vector<16xf32>
      %abs3A = math.absf %sub3A_218 : vector<16xf32>
      %sub3A_219 = arith.subf %gather3A_182, %gather3A_94 : vector<16xf32>
      %abs3A_220 = math.absf %sub3A_219 : vector<16xf32>
      %add3A_221 = arith.addf %abs3A, %abs3A_220 : vector<16xf32>
      %sub3A_222 = arith.subf %gather3A_187, %gather3A_99 : vector<16xf32>
      %abs3A_223 = math.absf %sub3A_222 : vector<16xf32>
      %add3A_224 = arith.addf %add3A_221, %abs3A_223 : vector<16xf32>
      %sub3A_225 = arith.subf %gather3A_192, %gather3A_104 : vector<16xf32>
      %abs3A_226 = math.absf %sub3A_225 : vector<16xf32>
      %add3A_227 = arith.addf %add3A_224, %abs3A_226 : vector<16xf32>
      %sub3A_228 = arith.subf %gather3A_197, %gather3A_109 : vector<16xf32>
      %abs3A_229 = math.absf %sub3A_228 : vector<16xf32>
      %add3A_230 = arith.addf %add3A_227, %abs3A_229 : vector<16xf32>
      %sub3A_231 = arith.subf %gather3A_202, %gather3A_114 : vector<16xf32>
      %abs3A_232 = math.absf %sub3A_231 : vector<16xf32>
      %add3A_233 = arith.addf %add3A_230, %abs3A_232 : vector<16xf32>
      %max3A_234 = arith.constant 0.000000e+00 : f32
      %max3A_235 = vector.broadcast %max3A_234 : f32 to vector<16xf32>
      %max3A_236 = arith.maximumf %gather3A_177, %max3A_235 : vector<16xf32>
      %max3A_237 = arith.constant 0.000000e+00 : f32
      %max3A_238 = vector.broadcast %max3A_237 : f32 to vector<16xf32>
      %max3A_239 = arith.maximumf %gather3A_182, %max3A_238 : vector<16xf32>
      %max3A_240 = arith.constant 0.000000e+00 : f32
      %max3A_241 = vector.broadcast %max3A_240 : f32 to vector<16xf32>
      %max3A_242 = arith.maximumf %gather3A_187, %max3A_241 : vector<16xf32>
      %max3A_243 = arith.constant 0.000000e+00 : f32
      %max3A_244 = vector.broadcast %max3A_243 : f32 to vector<16xf32>
      %max3A_245 = arith.maximumf %gather3A_192, %max3A_244 : vector<16xf32>
      %max3A_246 = arith.constant 0.000000e+00 : f32
      %max3A_247 = vector.broadcast %max3A_246 : f32 to vector<16xf32>
      %max3A_248 = arith.maximumf %gather3A_197, %max3A_247 : vector<16xf32>
      %max3A_249 = arith.constant 0.000000e+00 : f32
      %max3A_250 = vector.broadcast %max3A_249 : f32 to vector<16xf32>
      %max3A_251 = arith.maximumf %gather3A_202, %max3A_250 : vector<16xf32>
      %mul3A_252 = arith.constant 5.000000e-01 : f32
      %mul3A_253 = vector.broadcast %mul3A_252 : f32 to vector<16xf32>
      %mul3A_254 = arith.mulf %max3A_245, %mul3A_253 : vector<16xf32>
      %mul3A_255 = arith.constant 5.000000e-01 : f32
      %mul3A_256 = vector.broadcast %mul3A_255 : f32 to vector<16xf32>
      %mul3A_257 = arith.mulf %max3A_248, %mul3A_256 : vector<16xf32>
      %mul3A_258 = arith.constant 5.000000e-01 : f32
      %mul3A_259 = vector.broadcast %mul3A_258 : f32 to vector<16xf32>
      %mul3A_260 = arith.mulf %max3A_251, %mul3A_259 : vector<16xf32>
      %sub3A_261 = arith.subf %max3A_236, %mul3A_254 : vector<16xf32>
      %sub3A_262 = arith.subf %max3A_239, %mul3A_257 : vector<16xf32>
      %sub3A_263 = arith.subf %max3A_242, %mul3A_260 : vector<16xf32>
      %add3A_264 = arith.addf %max3A_236, %mul3A_254 : vector<16xf32>
      %add3A_265 = arith.addf %max3A_239, %mul3A_257 : vector<16xf32>
      %add3A_266 = arith.addf %max3A_242, %mul3A_260 : vector<16xf32>
      %sub3A_267 = arith.subf %add3A_264, %sub3A_261 : vector<16xf32>
      %max3A_268 = arith.constant 0.000000e+00 : f32
      %max3A_269 = vector.broadcast %max3A_268 : f32 to vector<16xf32>
      %max3A_270 = arith.maximumf %sub3A_267, %max3A_269 : vector<16xf32>
      %sub3A_271 = arith.subf %add3A_265, %sub3A_262 : vector<16xf32>
      %max3A_272 = arith.constant 0.000000e+00 : f32
      %max3A_273 = vector.broadcast %max3A_272 : f32 to vector<16xf32>
      %max3A_274 = arith.maximumf %sub3A_271, %max3A_273 : vector<16xf32>
      %sub3A_275 = arith.subf %add3A_266, %sub3A_263 : vector<16xf32>
      %max3A_276 = arith.constant 0.000000e+00 : f32
      %max3A_277 = vector.broadcast %max3A_276 : f32 to vector<16xf32>
      %max3A_278 = arith.maximumf %sub3A_275, %max3A_277 : vector<16xf32>
      %mul3A_279 = arith.mulf %max3A_270, %max3A_274 : vector<16xf32>
      %mul3A_280 = arith.mulf %mul3A_279, %max3A_278 : vector<16xf32>
      %min3A = arith.minimumf %add3A_264, %add3A_127 : vector<16xf32>
      %max3A_281 = arith.maximumf %sub3A_261, %sub3A_124 : vector<16xf32>
      %sub3A_282 = arith.subf %min3A, %max3A_281 : vector<16xf32>
      %max3A_283 = arith.constant 0.000000e+00 : f32
      %max3A_284 = vector.broadcast %max3A_283 : f32 to vector<16xf32>
      %max3A_285 = arith.maximumf %sub3A_282, %max3A_284 : vector<16xf32>
      %min3A_286 = arith.minimumf %add3A_265, %add3A_128 : vector<16xf32>
      %max3A_287 = arith.maximumf %sub3A_262, %sub3A_125 : vector<16xf32>
      %sub3A_288 = arith.subf %min3A_286, %max3A_287 : vector<16xf32>
      %max3A_289 = arith.constant 0.000000e+00 : f32
      %max3A_290 = vector.broadcast %max3A_289 : f32 to vector<16xf32>
      %max3A_291 = arith.maximumf %sub3A_288, %max3A_290 : vector<16xf32>
      %min3A_292 = arith.minimumf %add3A_266, %add3A_129 : vector<16xf32>
      %max3A_293 = arith.maximumf %sub3A_263, %sub3A_126 : vector<16xf32>
      %sub3A_294 = arith.subf %min3A_292, %max3A_293 : vector<16xf32>
      %max3A_295 = arith.constant 0.000000e+00 : f32
      %max3A_296 = vector.broadcast %max3A_295 : f32 to vector<16xf32>
      %max3A_297 = arith.maximumf %sub3A_294, %max3A_296 : vector<16xf32>
      %mul3A_298 = arith.mulf %max3A_285, %max3A_291 : vector<16xf32>
      %mul3A_299 = arith.mulf %mul3A_298, %max3A_297 : vector<16xf32>
      %add3A_300 = arith.addf %mul3A_280, %mul3A_142 : vector<16xf32>
      %sub3A_301 = arith.subf %add3A_300, %mul3A_299 : vector<16xf32>
      %max3A_302 = arith.maximumf %add3A_264, %add3A_127 : vector<16xf32>
      %min3A_303 = arith.minimumf %sub3A_261, %sub3A_124 : vector<16xf32>
      %sub3A_304 = arith.subf %max3A_302, %min3A_303 : vector<16xf32>
      %max3A_305 = arith.constant 0.000000e+00 : f32
      %max3A_306 = vector.broadcast %max3A_305 : f32 to vector<16xf32>
      %max3A_307 = arith.maximumf %sub3A_304, %max3A_306 : vector<16xf32>
      %max3A_308 = arith.maximumf %add3A_265, %add3A_128 : vector<16xf32>
      %min3A_309 = arith.minimumf %sub3A_262, %sub3A_125 : vector<16xf32>
      %sub3A_310 = arith.subf %max3A_308, %min3A_309 : vector<16xf32>
      %max3A_311 = arith.constant 0.000000e+00 : f32
      %max3A_312 = vector.broadcast %max3A_311 : f32 to vector<16xf32>
      %max3A_313 = arith.maximumf %sub3A_310, %max3A_312 : vector<16xf32>
      %max3A_314 = arith.maximumf %add3A_266, %add3A_129 : vector<16xf32>
      %min3A_315 = arith.minimumf %sub3A_263, %sub3A_126 : vector<16xf32>
      %sub3A_316 = arith.subf %max3A_314, %min3A_315 : vector<16xf32>
      %max3A_317 = arith.constant 0.000000e+00 : f32
      %max3A_318 = vector.broadcast %max3A_317 : f32 to vector<16xf32>
      %max3A_319 = arith.maximumf %sub3A_316, %max3A_318 : vector<16xf32>
      %mul3A_320 = arith.mulf %max3A_307, %max3A_313 : vector<16xf32>
      %mul3A_321 = arith.mulf %mul3A_320, %max3A_319 : vector<16xf32>
      %max3A_322 = arith.constant 1.000000e-07 : f32
      %max3A_323 = vector.broadcast %max3A_322 : f32 to vector<16xf32>
      %max3A_324 = arith.maximumf %sub3A_301, %max3A_323 : vector<16xf32>
      %max3A_325 = arith.constant 1.000000e-07 : f32
      %max3A_326 = vector.broadcast %max3A_325 : f32 to vector<16xf32>
      %max3A_327 = arith.maximumf %mul3A_321, %max3A_326 : vector<16xf32>
      %mul3A_328 = arith.mulf %mul3A_299, %max3A_327 : vector<16xf32>
      %sub3A_329 = arith.subf %mul3A_321, %sub3A_301 : vector<16xf32>
      %mul3A_330 = arith.mulf %sub3A_329, %max3A_324 : vector<16xf32>
      %sub3A_331 = arith.subf %mul3A_328, %mul3A_330 : vector<16xf32>
      %mul3A_332 = arith.mulf %max3A_324, %max3A_327 : vector<16xf32>
      %div3A_333 = arith.divf %sub3A_331, %mul3A_332 : vector<16xf32>
      %mul3A_334 = arith.mulf %gather3A_81, %add3A_233 : vector<16xf32>
      %mul3A_335 = arith.mulf %gather3A_78, %div3A_217 : vector<16xf32>
      %add3A_336 = arith.addf %mul3A_334, %mul3A_335 : vector<16xf32>
      %mul3A_337 = arith.mulf %gather3A_84, %div3A_333 : vector<16xf32>
      %sub3A_338 = arith.subf %add3A_336, %mul3A_337 : vector<16xf32>
      %broadcast_in_dim3A_339 = vector.broadcast %scan3A_170 : i32 to vector<16xi32>
      %lt3A_340 = arith.cmpf olt, %sub3A_338, %scan3A_171 : vector<16xf32>
      %select_n3A_341 = arith.select %lt3A_340, %sub3A_338, %scan3A_171 : vector<16xi1>, vector<16xf32>
      %select_n3A_342 = arith.select %lt3A_340, %broadcast_in_dim3A_339, %scan3A_172 : vector<16xi1>, vector<16xi32>
      %scan3A_343 = arith.constant 1 : i32
      %scan3A_344 = arith.addi %scan3A_170, %scan3A_343 : i32
      %add3A_345 = arith.constant 0 : i32
      %add3A_346 = arith.addi %add3A_345, %scan3A_344 : i32
      %add3A_347 = vector.broadcast %add3A_346 : i32 to vector<16xi32>
      %add3A_348 = arith.addi %mul3A_76, %add3A_347 : vector<16xi32>
      %gather3A_349 = tpu.vector_load_idx %arg6[%add3A_348] : memref<9984xf32, #tpu.memory_space<vmem>>[vector<16xi32>], vector<16xf32>,
      %add3A_350 = arith.constant 1664 : i32
      %add3A_351 = arith.addi %add3A_350, %scan3A_344 : i32
      %add3A_352 = vector.broadcast %add3A_351 : i32 to vector<16xi32>
      %add3A_353 = arith.addi %mul3A_76, %add3A_352 : vector<16xi32>
      %gather3A_354 = tpu.vector_load_idx %arg6[%add3A_353] : memref<9984xf32, #tpu.memory_space<vmem>>[vector<16xi32>], vector<16xf32>,
      %add3A_355 = arith.constant 3328 : i32
      %add3A_356 = arith.addi %add3A_355, %scan3A_344 : i32
      %add3A_357 = vector.broadcast %add3A_356 : i32 to vector<16xi32>
      %add3A_358 = arith.addi %mul3A_76, %add3A_357 : vector<16xi32>
      %gather3A_359 = tpu.vector_load_idx %arg6[%add3A_358] : memref<9984xf32, #tpu.memory_space<vmem>>[vector<16xi32>], vector<16xf32>,
      %add3A_360 = arith.constant 4992 : i32
      %add3A_361 = arith.addi %add3A_360, %scan3A_344 : i32
      %add3A_362 = vector.broadcast %add3A_361 : i32 to vector<16xi32>
      %add3A_363 = arith.addi %mul3A_76, %add3A_362 : vector<16xi32>
      %gather3A_364 = tpu.vector_load_idx %arg6[%add3A_363] : memref<9984xf32, #tpu.memory_space<vmem>>[vector<16xi32>], vector<16xf32>,
      %add3A_365 = arith.constant 6656 : i32
      %add3A_366 = arith.addi %add3A_365, %scan3A_344 : i32
      %add3A_367 = vector.broadcast %add3A_366 : i32 to vector<16xi32>
      %add3A_368 = arith.addi %mul3A_76, %add3A_367 : vector<16xi32>
      %gather3A_369 = tpu.vector_load_idx %arg6[%add3A_368] : memref<9984xf32, #tpu.memory_space<vmem>>[vector<16xi32>], vector<16xf32>,
      %add3A_370 = arith.constant 8320 : i32
      %add3A_371 = arith.addi %add3A_370, %scan3A_344 : i32
      %add3A_372 = vector.broadcast %add3A_371 : i32 to vector<16xi32>
      %add3A_373 = arith.addi %mul3A_76, %add3A_372 : vector<16xi32>
      %gather3A_374 = tpu.vector_load_idx %arg6[%add3A_373] : memref<9984xf32, #tpu.memory_space<vmem>>[vector<16xi32>], vector<16xf32>,
      %add3A_375 = vector.broadcast %scan3A_344 : i32 to vector<16xi32>
      %add3A_376 = arith.addi %mul3A_76, %add3A_375 : vector<16xi32>
      %gather3A_377 = tpu.vector_load_idx %arg7[%add3A_376] : memref<3328xf32, #tpu.memory_space<vmem>>[vector<16xi32>], vector<16xf32>,
      %add3A_378 = arith.constant 1664 : i32
      %add3A_379 = arith.addi %add3A_378, %scan3A_344 : i32
      %add3A_380 = vector.broadcast %add3A_379 : i32 to vector<16xi32>
      %add3A_381 = arith.addi %mul3A_76, %add3A_380 : vector<16xi32>
      %gather3A_382 = tpu.vector_load_idx %arg7[%add3A_381] : memref<3328xf32, #tpu.memory_space<vmem>>[vector<16xi32>], vector<16xf32>,
      %sub3A_383 = arith.subf %gather3A_377, %gather3A_382 : vector<16xf32>
      %exp3A_384 = math.exp %sub3A_383 : vector<16xf32>
      %add3A_385 = arith.constant 1.000000e+00 : f32
      %add3A_386 = vector.broadcast %add3A_385 : f32 to vector<16xf32>
      %add3A_387 = arith.addf %add3A_386, %exp3A_384 : vector<16xf32>
      %div3A_388 = arith.constant -1.000000e+00 : f32
      %div3A_389 = vector.broadcast %div3A_388 : f32 to vector<16xf32>
      %div3A_390 = arith.divf %div3A_389, %add3A_387 : vector<16xf32>
      %sub3A_391 = arith.subf %gather3A_349, %gather3A_89 : vector<16xf32>
      %abs3A_392 = math.absf %sub3A_391 : vector<16xf32>
      %sub3A_393 = arith.subf %gather3A_354, %gather3A_94 : vector<16xf32>
      %abs3A_394 = math.absf %sub3A_393 : vector<16xf32>
      %add3A_395 = arith.addf %abs3A_392, %abs3A_394 : vector<16xf32>
      %sub3A_396 = arith.subf %gather3A_359, %gather3A_99 : vector<16xf32>
      %abs3A_397 = math.absf %sub3A_396 : vector<16xf32>
      %add3A_398 = arith.addf %add3A_395, %abs3A_397 : vector<16xf32>
      %sub3A_399 = arith.subf %gather3A_364, %gather3A_104 : vector<16xf32>
      %abs3A_400 = math.absf %sub3A_399 : vector<16xf32>
      %add3A_401 = arith.addf %add3A_398, %abs3A_400 : vector<16xf32>
      %sub3A_402 = arith.subf %gather3A_369, %gather3A_109 : vector<16xf32>
      %abs3A_403 = math.absf %sub3A_402 : vector<16xf32>
      %add3A_404 = arith.addf %add3A_401, %abs3A_403 : vector<16xf32>
      %sub3A_405 = arith.subf %gather3A_374, %gather3A_114 : vector<16xf32>
      %abs3A_406 = math.absf %sub3A_405 : vector<16xf32>
      %add3A_407 = arith.addf %add3A_404, %abs3A_406 : vector<16xf32>
      %max3A_408 = arith.constant 0.000000e+00 : f32
      %max3A_409 = vector.broadcast %max3A_408 : f32 to vector<16xf32>
      %max3A_410 = arith.maximumf %gather3A_349, %max3A_409 : vector<16xf32>
      %max3A_411 = arith.constant 0.000000e+00 : f32
      %max3A_412 = vector.broadcast %max3A_411 : f32 to vector<16xf32>
      %max3A_413 = arith.maximumf %gather3A_354, %max3A_412 : vector<16xf32>
      %max3A_414 = arith.constant 0.000000e+00 : f32
      %max3A_415 = vector.broadcast %max3A_414 : f32 to vector<16xf32>
      %max3A_416 = arith.maximumf %gather3A_359, %max3A_415 : vector<16xf32>
      %max3A_417 = arith.constant 0.000000e+00 : f32
      %max3A_418 = vector.broadcast %max3A_417 : f32 to vector<16xf32>
      %max3A_419 = arith.maximumf %gather3A_364, %max3A_418 : vector<16xf32>
      %max3A_420 = arith.constant 0.000000e+00 : f32
      %max3A_421 = vector.broadcast %max3A_420 : f32 to vector<16xf32>
      %max3A_422 = arith.maximumf %gather3A_369, %max3A_421 : vector<16xf32>
      %max3A_423 = arith.constant 0.000000e+00 : f32
      %max3A_424 = vector.broadcast %max3A_423 : f32 to vector<16xf32>
      %max3A_425 = arith.maximumf %gather3A_374, %max3A_424 : vector<16xf32>
      %mul3A_426 = arith.constant 5.000000e-01 : f32
      %mul3A_427 = vector.broadcast %mul3A_426 : f32 to vector<16xf32>
      %mul3A_428 = arith.mulf %max3A_419, %mul3A_427 : vector<16xf32>
      %mul3A_429 = arith.constant 5.000000e-01 : f32
      %mul3A_430 = vector.broadcast %mul3A_429 : f32 to vector<16xf32>
      %mul3A_431 = arith.mulf %max3A_422, %mul3A_430 : vector<16xf32>
      %mul3A_432 = arith.constant 5.000000e-01 : f32
      %mul3A_433 = vector.broadcast %mul3A_432 : f32 to vector<16xf32>
      %mul3A_434 = arith.mulf %max3A_425, %mul3A_433 : vector<16xf32>
      %sub3A_435 = arith.subf %max3A_410, %mul3A_428 : vector<16xf32>
      %sub3A_436 = arith.subf %max3A_413, %mul3A_431 : vector<16xf32>
      %sub3A_437 = arith.subf %max3A_416, %mul3A_434 : vector<16xf32>
      %add3A_438 = arith.addf %max3A_410, %mul3A_428 : vector<16xf32>
      %add3A_439 = arith.addf %max3A_413, %mul3A_431 : vector<16xf32>
      %add3A_440 = arith.addf %max3A_416, %mul3A_434 : vector<16xf32>
      %sub3A_441 = arith.subf %add3A_438, %sub3A_435 : vector<16xf32>
      %max3A_442 = arith.constant 0.000000e+00 : f32
      %max3A_443 = vector.broadcast %max3A_442 : f32 to vector<16xf32>
      %max3A_444 = arith.maximumf %sub3A_441, %max3A_443 : vector<16xf32>
      %sub3A_445 = arith.subf %add3A_439, %sub3A_436 : vector<16xf32>
      %max3A_446 = arith.constant 0.000000e+00 : f32
      %max3A_447 = vector.broadcast %max3A_446 : f32 to vector<16xf32>
      %max3A_448 = arith.maximumf %sub3A_445, %max3A_447 : vector<16xf32>
      %sub3A_449 = arith.subf %add3A_440, %sub3A_437 : vector<16xf32>
      %max3A_450 = arith.constant 0.000000e+00 : f32
      %max3A_451 = vector.broadcast %max3A_450 : f32 to vector<16xf32>
      %max3A_452 = arith.maximumf %sub3A_449, %max3A_451 : vector<16xf32>
      %mul3A_453 = arith.mulf %max3A_444, %max3A_448 : vector<16xf32>
      %mul3A_454 = arith.mulf %mul3A_453, %max3A_452 : vector<16xf32>
      %min3A_455 = arith.minimumf %add3A_438, %add3A_127 : vector<16xf32>
      %max3A_456 = arith.maximumf %sub3A_435, %sub3A_124 : vector<16xf32>
      %sub3A_457 = arith.subf %min3A_455, %max3A_456 : vector<16xf32>
      %max3A_458 = arith.constant 0.000000e+00 : f32
      %max3A_459 = vector.broadcast %max3A_458 : f32 to vector<16xf32>
      %max3A_460 = arith.maximumf %sub3A_457, %max3A_459 : vector<16xf32>
      %min3A_461 = arith.minimumf %add3A_439, %add3A_128 : vector<16xf32>
      %max3A_462 = arith.maximumf %sub3A_436, %sub3A_125 : vector<16xf32>
      %sub3A_463 = arith.subf %min3A_461, %max3A_462 : vector<16xf32>
      %max3A_464 = arith.constant 0.000000e+00 : f32
      %max3A_465 = vector.broadcast %max3A_464 : f32 to vector<16xf32>
      %max3A_466 = arith.maximumf %sub3A_463, %max3A_465 : vector<16xf32>
      %min3A_467 = arith.minimumf %add3A_440, %add3A_129 : vector<16xf32>
      %max3A_468 = arith.maximumf %sub3A_437, %sub3A_126 : vector<16xf32>
      %sub3A_469 = arith.subf %min3A_467, %max3A_468 : vector<16xf32>
      %max3A_470 = arith.constant 0.000000e+00 : f32
      %max3A_471 = vector.broadcast %max3A_470 : f32 to vector<16xf32>
      %max3A_472 = arith.maximumf %sub3A_469, %max3A_471 : vector<16xf32>
      %mul3A_473 = arith.mulf %max3A_460, %max3A_466 : vector<16xf32>
      %mul3A_474 = arith.mulf %mul3A_473, %max3A_472 : vector<16xf32>
      %add3A_475 = arith.addf %mul3A_454, %mul3A_142 : vector<16xf32>
      %sub3A_476 = arith.subf %add3A_475, %mul3A_474 : vector<16xf32>
      %max3A_477 = arith.maximumf %add3A_438, %add3A_127 : vector<16xf32>
      %min3A_478 = arith.minimumf %sub3A_435, %sub3A_124 : vector<16xf32>
      %sub3A_479 = arith.subf %max3A_477, %min3A_478 : vector<16xf32>
      %max3A_480 = arith.constant 0.000000e+00 : f32
      %max3A_481 = vector.broadcast %max3A_480 : f32 to vector<16xf32>
      %max3A_482 = arith.maximumf %sub3A_479, %max3A_481 : vector<16xf32>
      %max3A_483 = arith.maximumf %add3A_439, %add3A_128 : vector<16xf32>
      %min3A_484 = arith.minimumf %sub3A_436, %sub3A_125 : vector<16xf32>
      %sub3A_485 = arith.subf %max3A_483, %min3A_484 : vector<16xf32>
      %max3A_486 = arith.constant 0.000000e+00 : f32
      %max3A_487 = vector.broadcast %max3A_486 : f32 to vector<16xf32>
      %max3A_488 = arith.maximumf %sub3A_485, %max3A_487 : vector<16xf32>
      %max3A_489 = arith.maximumf %add3A_440, %add3A_129 : vector<16xf32>
      %min3A_490 = arith.minimumf %sub3A_437, %sub3A_126 : vector<16xf32>
      %sub3A_491 = arith.subf %max3A_489, %min3A_490 : vector<16xf32>
      %max3A_492 = arith.constant 0.000000e+00 : f32
      %max3A_493 = vector.broadcast %max3A_492 : f32 to vector<16xf32>
      %max3A_494 = arith.maximumf %sub3A_491, %max3A_493 : vector<16xf32>
      %mul3A_495 = arith.mulf %max3A_482, %max3A_488 : vector<16xf32>
      %mul3A_496 = arith.mulf %mul3A_495, %max3A_494 : vector<16xf32>
      %max3A_497 = arith.constant 1.000000e-07 : f32
      %max3A_498 = vector.broadcast %max3A_497 : f32 to vector<16xf32>
      %max3A_499 = arith.maximumf %sub3A_476, %max3A_498 : vector<16xf32>
      %max3A_500 = arith.constant 1.000000e-07 : f32
      %max3A_501 = vector.broadcast %max3A_500 : f32 to vector<16xf32>
      %max3A_502 = arith.maximumf %mul3A_496, %max3A_501 : vector<16xf32>
      %mul3A_503 = arith.mulf %mul3A_474, %max3A_502 : vector<16xf32>
      %sub3A_504 = arith.subf %mul3A_496, %sub3A_476 : vector<16xf32>
      %mul3A_505 = arith.mulf %sub3A_504, %max3A_499 : vector<16xf32>
      %sub3A_506 = arith.subf %mul3A_503, %mul3A_505 : vector<16xf32>
      %mul3A_507 = arith.mulf %max3A_499, %max3A_502 : vector<16xf32>
      %div3A_508 = arith.divf %sub3A_506, %mul3A_507 : vector<16xf32>
      %mul3A_509 = arith.mulf %gather3A_81, %add3A_407 : vector<16xf32>
      %mul3A_510 = arith.mulf %gather3A_78, %div3A_390 : vector<16xf32>
      %add3A_511 = arith.addf %mul3A_509, %mul3A_510 : vector<16xf32>
      %mul3A_512 = arith.mulf %gather3A_84, %div3A_508 : vector<16xf32>
      %sub3A_513 = arith.subf %add3A_511, %mul3A_512 : vector<16xf32>
      %broadcast_in_dim3A_514 = vector.broadcast %scan3A_344 : i32 to vector<16xi32>
      %lt3A_515 = arith.cmpf olt, %sub3A_513, %select_n3A_341 : vector<16xf32>
      %select_n3A_516 = arith.select %lt3A_515, %sub3A_513, %select_n3A_341 : vector<16xi1>, vector<16xf32>
      %select_n3A_517 = arith.select %lt3A_515, %broadcast_in_dim3A_514, %select_n3A_342 : vector<16xi1>, vector<16xi32>
      %scan3A_518 = arith.constant 2 : i32
      %scan3A_519 = arith.addi %scan3A_170, %scan3A_518 : i32
      %add3A_520 = arith.constant 0 : i32
      %add3A_521 = arith.addi %add3A_520, %scan3A_519 : i32
      %add3A_522 = vector.broadcast %add3A_521 : i32 to vector<16xi32>
      %add3A_523 = arith.addi %mul3A_76, %add3A_522 : vector<16xi32>
      %gather3A_524 = tpu.vector_load_idx %arg6[%add3A_523] : memref<9984xf32, #tpu.memory_space<vmem>>[vector<16xi32>], vector<16xf32>,
      %add3A_525 = arith.constant 1664 : i32
      %add3A_526 = arith.addi %add3A_525, %scan3A_519 : i32
      %add3A_527 = vector.broadcast %add3A_526 : i32 to vector<16xi32>
      %add3A_528 = arith.addi %mul3A_76, %add3A_527 : vector<16xi32>
      %gather3A_529 = tpu.vector_load_idx %arg6[%add3A_528] : memref<9984xf32, #tpu.memory_space<vmem>>[vector<16xi32>], vector<16xf32>,
      %add3A_530 = arith.constant 3328 : i32
      %add3A_531 = arith.addi %add3A_530, %scan3A_519 : i32
      %add3A_532 = vector.broadcast %add3A_531 : i32 to vector<16xi32>
      %add3A_533 = arith.addi %mul3A_76, %add3A_532 : vector<16xi32>
      %gather3A_534 = tpu.vector_load_idx %arg6[%add3A_533] : memref<9984xf32, #tpu.memory_space<vmem>>[vector<16xi32>], vector<16xf32>,
      %add3A_535 = arith.constant 4992 : i32
      %add3A_536 = arith.addi %add3A_535, %scan3A_519 : i32
      %add3A_537 = vector.broadcast %add3A_536 : i32 to vector<16xi32>
      %add3A_538 = arith.addi %mul3A_76, %add3A_537 : vector<16xi32>
      %gather3A_539 = tpu.vector_load_idx %arg6[%add3A_538] : memref<9984xf32, #tpu.memory_space<vmem>>[vector<16xi32>], vector<16xf32>,
      %add3A_540 = arith.constant 6656 : i32
      %add3A_541 = arith.addi %add3A_540, %scan3A_519 : i32
      %add3A_542 = vector.broadcast %add3A_541 : i32 to vector<16xi32>
      %add3A_543 = arith.addi %mul3A_76, %add3A_542 : vector<16xi32>
      %gather3A_544 = tpu.vector_load_idx %arg6[%add3A_543] : memref<9984xf32, #tpu.memory_space<vmem>>[vector<16xi32>], vector<16xf32>,
      %add3A_545 = arith.constant 8320 : i32
      %add3A_546 = arith.addi %add3A_545, %scan3A_519 : i32
      %add3A_547 = vector.broadcast %add3A_546 : i32 to vector<16xi32>
      %add3A_548 = arith.addi %mul3A_76, %add3A_547 : vector<16xi32>
      %gather3A_549 = tpu.vector_load_idx %arg6[%add3A_548] : memref<9984xf32, #tpu.memory_space<vmem>>[vector<16xi32>], vector<16xf32>,
      %add3A_550 = vector.broadcast %scan3A_519 : i32 to vector<16xi32>
      %add3A_551 = arith.addi %mul3A_76, %add3A_550 : vector<16xi32>
      %gather3A_552 = tpu.vector_load_idx %arg7[%add3A_551] : memref<3328xf32, #tpu.memory_space<vmem>>[vector<16xi32>], vector<16xf32>,
      %add3A_553 = arith.constant 1664 : i32
      %add3A_554 = arith.addi %add3A_553, %scan3A_519 : i32
      %add3A_555 = vector.broadcast %add3A_554 : i32 to vector<16xi32>
      %add3A_556 = arith.addi %mul3A_76, %add3A_555 : vector<16xi32>
      %gather3A_557 = tpu.vector_load_idx %arg7[%add3A_556] : memref<3328xf32, #tpu.memory_space<vmem>>[vector<16xi32>], vector<16xf32>,
      %sub3A_558 = arith.subf %gather3A_552, %gather3A_557 : vector<16xf32>
      %exp3A_559 = math.exp %sub3A_558 : vector<16xf32>
      %add3A_560 = arith.constant 1.000000e+00 : f32
      %add3A_561 = vector.broadcast %add3A_560 : f32 to vector<16xf32>
      %add3A_562 = arith.addf %add3A_561, %exp3A_559 : vector<16xf32>
      %div3A_563 = arith.constant -1.000000e+00 : f32
      %div3A_564 = vector.broadcast %div3A_563 : f32 to vector<16xf32>
      %div3A_565 = arith.divf %div3A_564, %add3A_562 : vector<16xf32>
      %sub3A_566 = arith.subf %gather3A_524, %gather3A_89 : vector<16xf32>
      %abs3A_567 = math.absf %sub3A_566 : vector<16xf32>
      %sub3A_568 = arith.subf %gather3A_529, %gather3A_94 : vector<16xf32>
      %abs3A_569 = math.absf %sub3A_568 : vector<16xf32>
      %add3A_570 = arith.addf %abs3A_567, %abs3A_569 : vector<16xf32>
      %sub3A_571 = arith.subf %gather3A_534, %gather3A_99 : vector<16xf32>
      %abs3A_572 = math.absf %sub3A_571 : vector<16xf32>
      %add3A_573 = arith.addf %add3A_570, %abs3A_572 : vector<16xf32>
      %sub3A_574 = arith.subf %gather3A_539, %gather3A_104 : vector<16xf32>
      %abs3A_575 = math.absf %sub3A_574 : vector<16xf32>
      %add3A_576 = arith.addf %add3A_573, %abs3A_575 : vector<16xf32>
      %sub3A_577 = arith.subf %gather3A_544, %gather3A_109 : vector<16xf32>
      %abs3A_578 = math.absf %sub3A_577 : vector<16xf32>
      %add3A_579 = arith.addf %add3A_576, %abs3A_578 : vector<16xf32>
      %sub3A_580 = arith.subf %gather3A_549, %gather3A_114 : vector<16xf32>
      %abs3A_581 = math.absf %sub3A_580 : vector<16xf32>
      %add3A_582 = arith.addf %add3A_579, %abs3A_581 : vector<16xf32>
      %max3A_583 = arith.constant 0.000000e+00 : f32
      %max3A_584 = vector.broadcast %max3A_583 : f32 to vector<16xf32>
      %max3A_585 = arith.maximumf %gather3A_524, %max3A_584 : vector<16xf32>
      %max3A_586 = arith.constant 0.000000e+00 : f32
      %max3A_587 = vector.broadcast %max3A_586 : f32 to vector<16xf32>
      %max3A_588 = arith.maximumf %gather3A_529, %max3A_587 : vector<16xf32>
      %max3A_589 = arith.constant 0.000000e+00 : f32
      %max3A_590 = vector.broadcast %max3A_589 : f32 to vector<16xf32>
      %max3A_591 = arith.maximumf %gather3A_534, %max3A_590 : vector<16xf32>
      %max3A_592 = arith.constant 0.000000e+00 : f32
      %max3A_593 = vector.broadcast %max3A_592 : f32 to vector<16xf32>
      %max3A_594 = arith.maximumf %gather3A_539, %max3A_593 : vector<16xf32>
      %max3A_595 = arith.constant 0.000000e+00 : f32
      %max3A_596 = vector.broadcast %max3A_595 : f32 to vector<16xf32>
      %max3A_597 = arith.maximumf %gather3A_544, %max3A_596 : vector<16xf32>
      %max3A_598 = arith.constant 0.000000e+00 : f32
      %max3A_599 = vector.broadcast %max3A_598 : f32 to vector<16xf32>
      %max3A_600 = arith.maximumf %gather3A_549, %max3A_599 : vector<16xf32>
      %mul3A_601 = arith.constant 5.000000e-01 : f32
      %mul3A_602 = vector.broadcast %mul3A_601 : f32 to vector<16xf32>
      %mul3A_603 = arith.mulf %max3A_594, %mul3A_602 : vector<16xf32>
      %mul3A_604 = arith.constant 5.000000e-01 : f32
      %mul3A_605 = vector.broadcast %mul3A_604 : f32 to vector<16xf32>
      %mul3A_606 = arith.mulf %max3A_597, %mul3A_605 : vector<16xf32>
      %mul3A_607 = arith.constant 5.000000e-01 : f32
      %mul3A_608 = vector.broadcast %mul3A_607 : f32 to vector<16xf32>
      %mul3A_609 = arith.mulf %max3A_600, %mul3A_608 : vector<16xf32>
      %sub3A_610 = arith.subf %max3A_585, %mul3A_603 : vector<16xf32>
      %sub3A_611 = arith.subf %max3A_588, %mul3A_606 : vector<16xf32>
      %sub3A_612 = arith.subf %max3A_591, %mul3A_609 : vector<16xf32>
      %add3A_613 = arith.addf %max3A_585, %mul3A_603 : vector<16xf32>
      %add3A_614 = arith.addf %max3A_588, %mul3A_606 : vector<16xf32>
      %add3A_615 = arith.addf %max3A_591, %mul3A_609 : vector<16xf32>
      %sub3A_616 = arith.subf %add3A_613, %sub3A_610 : vector<16xf32>
      %max3A_617 = arith.constant 0.000000e+00 : f32
      %max3A_618 = vector.broadcast %max3A_617 : f32 to vector<16xf32>
      %max3A_619 = arith.maximumf %sub3A_616, %max3A_618 : vector<16xf32>
      %sub3A_620 = arith.subf %add3A_614, %sub3A_611 : vector<16xf32>
      %max3A_621 = arith.constant 0.000000e+00 : f32
      %max3A_622 = vector.broadcast %max3A_621 : f32 to vector<16xf32>
      %max3A_623 = arith.maximumf %sub3A_620, %max3A_622 : vector<16xf32>
      %sub3A_624 = arith.subf %add3A_615, %sub3A_612 : vector<16xf32>
      %max3A_625 = arith.constant 0.000000e+00 : f32
      %max3A_626 = vector.broadcast %max3A_625 : f32 to vector<16xf32>
      %max3A_627 = arith.maximumf %sub3A_624, %max3A_626 : vector<16xf32>
      %mul3A_628 = arith.mulf %max3A_619, %max3A_623 : vector<16xf32>
      %mul3A_629 = arith.mulf %mul3A_628, %max3A_627 : vector<16xf32>
      %min3A_630 = arith.minimumf %add3A_613, %add3A_127 : vector<16xf32>
      %max3A_631 = arith.maximumf %sub3A_610, %sub3A_124 : vector<16xf32>
      %sub3A_632 = arith.subf %min3A_630, %max3A_631 : vector<16xf32>
      %max3A_633 = arith.constant 0.000000e+00 : f32
      %max3A_634 = vector.broadcast %max3A_633 : f32 to vector<16xf32>
      %max3A_635 = arith.maximumf %sub3A_632, %max3A_634 : vector<16xf32>
      %min3A_636 = arith.minimumf %add3A_614, %add3A_128 : vector<16xf32>
      %max3A_637 = arith.maximumf %sub3A_611, %sub3A_125 : vector<16xf32>
      %sub3A_638 = arith.subf %min3A_636, %max3A_637 : vector<16xf32>
      %max3A_639 = arith.constant 0.000000e+00 : f32
      %max3A_640 = vector.broadcast %max3A_639 : f32 to vector<16xf32>
      %max3A_641 = arith.maximumf %sub3A_638, %max3A_640 : vector<16xf32>
      %min3A_642 = arith.minimumf %add3A_615, %add3A_129 : vector<16xf32>
      %max3A_643 = arith.maximumf %sub3A_612, %sub3A_126 : vector<16xf32>
      %sub3A_644 = arith.subf %min3A_642, %max3A_643 : vector<16xf32>
      %max3A_645 = arith.constant 0.000000e+00 : f32
      %max3A_646 = vector.broadcast %max3A_645 : f32 to vector<16xf32>
      %max3A_647 = arith.maximumf %sub3A_644, %max3A_646 : vector<16xf32>
      %mul3A_648 = arith.mulf %max3A_635, %max3A_641 : vector<16xf32>
      %mul3A_649 = arith.mulf %mul3A_648, %max3A_647 : vector<16xf32>
      %add3A_650 = arith.addf %mul3A_629, %mul3A_142 : vector<16xf32>
      %sub3A_651 = arith.subf %add3A_650, %mul3A_649 : vector<16xf32>
      %max3A_652 = arith.maximumf %add3A_613, %add3A_127 : vector<16xf32>
      %min3A_653 = arith.minimumf %sub3A_610, %sub3A_124 : vector<16xf32>
      %sub3A_654 = arith.subf %max3A_652, %min3A_653 : vector<16xf32>
      %max3A_655 = arith.constant 0.000000e+00 : f32
      %max3A_656 = vector.broadcast %max3A_655 : f32 to vector<16xf32>
      %max3A_657 = arith.maximumf %sub3A_654, %max3A_656 : vector<16xf32>
      %max3A_658 = arith.maximumf %add3A_614, %add3A_128 : vector<16xf32>
      %min3A_659 = arith.minimumf %sub3A_611, %sub3A_125 : vector<16xf32>
      %sub3A_660 = arith.subf %max3A_658, %min3A_659 : vector<16xf32>
      %max3A_661 = arith.constant 0.000000e+00 : f32
      %max3A_662 = vector.broadcast %max3A_661 : f32 to vector<16xf32>
      %max3A_663 = arith.maximumf %sub3A_660, %max3A_662 : vector<16xf32>
      %max3A_664 = arith.maximumf %add3A_615, %add3A_129 : vector<16xf32>
      %min3A_665 = arith.minimumf %sub3A_612, %sub3A_126 : vector<16xf32>
      %sub3A_666 = arith.subf %max3A_664, %min3A_665 : vector<16xf32>
      %max3A_667 = arith.constant 0.000000e+00 : f32
      %max3A_668 = vector.broadcast %max3A_667 : f32 to vector<16xf32>
      %max3A_669 = arith.maximumf %sub3A_666, %max3A_668 : vector<16xf32>
      %mul3A_670 = arith.mulf %max3A_657, %max3A_663 : vector<16xf32>
      %mul3A_671 = arith.mulf %mul3A_670, %max3A_669 : vector<16xf32>
      %max3A_672 = arith.constant 1.000000e-07 : f32
      %max3A_673 = vector.broadcast %max3A_672 : f32 to vector<16xf32>
      %max3A_674 = arith.maximumf %sub3A_651, %max3A_673 : vector<16xf32>
      %max3A_675 = arith.constant 1.000000e-07 : f32
      %max3A_676 = vector.broadcast %max3A_675 : f32 to vector<16xf32>
      %max3A_677 = arith.maximumf %mul3A_671, %max3A_676 : vector<16xf32>
      %mul3A_678 = arith.mulf %mul3A_649, %max3A_677 : vector<16xf32>
      %sub3A_679 = arith.subf %mul3A_671, %sub3A_651 : vector<16xf32>
      %mul3A_680 = arith.mulf %sub3A_679, %max3A_674 : vector<16xf32>
      %sub3A_681 = arith.subf %mul3A_678, %mul3A_680 : vector<16xf32>
      %mul3A_682 = arith.mulf %max3A_674, %max3A_677 : vector<16xf32>
      %div3A_683 = arith.divf %sub3A_681, %mul3A_682 : vector<16xf32>
      %mul3A_684 = arith.mulf %gather3A_81, %add3A_582 : vector<16xf32>
      %mul3A_685 = arith.mulf %gather3A_78, %div3A_565 : vector<16xf32>
      %add3A_686 = arith.addf %mul3A_684, %mul3A_685 : vector<16xf32>
      %mul3A_687 = arith.mulf %gather3A_84, %div3A_683 : vector<16xf32>
      %sub3A_688 = arith.subf %add3A_686, %mul3A_687 : vector<16xf32>
      %broadcast_in_dim3A_689 = vector.broadcast %scan3A_519 : i32 to vector<16xi32>
      %lt3A_690 = arith.cmpf olt, %sub3A_688, %select_n3A_516 : vector<16xf32>
      %select_n3A_691 = arith.select %lt3A_690, %sub3A_688, %select_n3A_516 : vector<16xi1>, vector<16xf32>
      %select_n3A_692 = arith.select %lt3A_690, %broadcast_in_dim3A_689, %select_n3A_517 : vector<16xi1>, vector<16xi32>
      scf.yield %select_n3A_691, %select_n3A_692 : vector<16xf32>, vector<16xi32>
    }
    %scan3A_163 = arith.constant 81 : i32
    %broadcast_in_dim3A_164 = arith.constant 0 : i32
    %broadcast_in_dim3A_165 = vector.broadcast %broadcast_in_dim3A_164 : i32 to vector<16xi32>
    tpu.vector_store_idx %arg9[%iota3A, %broadcast_in_dim3A_165], %select_n3A_73 : memref<16x2xi32, #tpu.memory_space<vmem>>[vector<16xi32>, vector<16xi32>], vector<16xi32>,
    %add3A_166 = arith.constant 1 : i32
    %add3A_167 = vector.broadcast %add3A_166 : i32 to vector<16xi32>
    %add3A_168 = arith.addi %broadcast_in_dim3A_165, %add3A_167 : vector<16xi32>
    %add3A_169 = arith.addi %scan3A_162#1, %mul3A_76 : vector<16xi32>
    tpu.vector_store_idx %arg9[%iota3A, %add3A_168], %add3A_169 : memref<16x2xi32, #tpu.memory_space<vmem>>[vector<16xi32>, vector<16xi32>], vector<16xi32>,
    "tpu.region"() ({
      %run_scoped3A = tpu.sem_alloc : memref<!tpu.dma_semaphore, #tpu.memory_space<semaphore_mem>>
      %dma_start3A_170 = arith.constant 0 : i32
      %dma_start3A_171 = tpu.memref_slice %arg5[%select_n3A, %mul3A_34, %dma_start3A_170] : memref<16x32x2xi32, #tpu.memory_space<hbm>> -> memref<1x16x2xi32, #tpu.memory_space<hbm>>
      %dma_start3A_172 = tpu.memref_squeeze %dma_start3A_171 : memref<1x16x2xi32, #tpu.memory_space<hbm>> -> memref<16x2xi32, #tpu.memory_space<hbm>>
      %dma_start3A_173 = arith.constant 0 : i32
      %dma_start3A_174 = tpu.memref_slice %arg5[%select_n3A, %mul3A_34, %dma_start3A_173] : memref<16x32x2xi32, #tpu.memory_space<hbm>> -> memref<1x16x2xi32, #tpu.memory_space<hbm>>
      %dma_start3A_175 = tpu.memref_squeeze %dma_start3A_174 : memref<1x16x2xi32, #tpu.memory_space<hbm>> -> memref<16x2xi32, #tpu.memory_space<hbm>>
      tpu.enqueue_dma source(%arg9 : memref<16x2xi32, #tpu.memory_space<vmem>>) target(%dma_start3A_175 : memref<16x2xi32, #tpu.memory_space<hbm>>) target_semaphore(%run_scoped3A : memref<!tpu.dma_semaphore, #tpu.memory_space<semaphore_mem>>)
      %dma_wait3A_176 = arith.constant 0 : i32
      %dma_wait3A_177 = tpu.memref_slice %arg5[%select_n3A, %mul3A_34, %dma_wait3A_176] : memref<16x32x2xi32, #tpu.memory_space<hbm>> -> memref<1x16x2xi32, #tpu.memory_space<hbm>>
      %dma_wait3A_178 = tpu.memref_squeeze %dma_wait3A_177 : memref<1x16x2xi32, #tpu.memory_space<hbm>> -> memref<16x2xi32, #tpu.memory_space<hbm>>
      %dma_wait3A_179 = arith.constant 0 : i32
      %dma_wait3A_180 = tpu.memref_slice %arg5[%select_n3A, %mul3A_34, %dma_wait3A_179] : memref<16x32x2xi32, #tpu.memory_space<hbm>> -> memref<1x16x2xi32, #tpu.memory_space<hbm>>
      %dma_wait3A_181 = tpu.memref_squeeze %dma_wait3A_180 : memref<1x16x2xi32, #tpu.memory_space<hbm>> -> memref<16x2xi32, #tpu.memory_space<hbm>>
      tpu.wait_dma2 semaphore(%run_scoped3A : memref<!tpu.dma_semaphore, #tpu.memory_space<semaphore_mem>>) src(%arg9 : memref<16x2xi32, #tpu.memory_space<vmem>>) dst(%dma_wait3A_181 : memref<16x2xi32, #tpu.memory_space<hbm>>)
      tpu.yield
    }) : () -> ()
    return
  }
}

</mosaic_0001>

<sc_bundles>
// kernel: kernel.3.cloned.1.call-start
scs
__scs_entry_jumppad:
0x0: {  	(pc) =	sbr.rel $0x88, $3  }
0x1: {  	(tag) =	ssettag $0x0;
	lr =	simm.s32 $0x1  }
0x2: {  	[smem:$0x3F9A] =	sst lr;
	_ =	strace $0xD0000000  }
0x3: {  	_ = 	snop  }
0x4: {  	_ = 	snop  }
0x5: {  	_ = 	snop  }
0x6: {  	_ = 	snop  }
0x7: {  	_ = 	snop  }
__scs_overlays_trampoline_lowered:
0x8: {  	[smem:$0x3FA9] =	sst s0  }
0x9: {  	[smem:$0x3FAA] =	sst s1  }
0xa: {  	[smem:$0x3FAB] =	sst s2  }
0xb: {  	[smem:$0x3FAC] =	sst s3  }
0xc: {  	[smem:$0x3FAD] =	sst s4  }
0xd: {  	[smem:$0x3FAE] =	sst s5  }
0xe: {  	[smem:$0x3FAF] =	sst s6  }
0xf: {  	[smem:$0x3FB0] =	sst s7  }
0x10: {  	[smem:$0x3FB1] =	sst s8  }
0x11: {  	[smem:$0x3FB2] =	sst s9;
	s0 =	simm.s32 @!p0 $0x0  }
0x12: {  	s1 =	sld [smem:$0x3F98];
	s0 =	simm.s32 @p0 $0x1  }
0x13: {  	[smem:$0x3FB3] =	sst s0;
	s0 =	simm.s32 @!p1 $0x0  }
0x14: {  	s2 =	sld [smem:$0x3F97];
	s0 =	simm.s32 @p1 $0x1  }
0x15: {  	[smem:$0x3FB4] =	sst s0;
	s0 =	simm.s32 @!p2 $0x0  }
0x16: {  	s3 =	sld [smem:$0x3FDB];
	s0 =	simm.s32 @p2 $0x1  }
0x17: {  	s4 =	simm.s32 $0x1BF5;
	[smem:$0x3FB6] =	sst s0  }
0x18: {  	s0 =	sld [smem:$0x3F99];
	_ =	swait.ge [sflag:s4], $0x0  }
0x19: {  	s7 =	sld [smem:$0x3F9A]  }
0x1a: {  	s8 =	sadd.s32 $0xFFFFE003, lr  }
0x1b: {  	s9 =	sadd.s32 $0xFFFFFEF7, lr;
	s5 =	simm.s32 $0xFFFFFFFF;
	p2 =	slt.u32 s8, $0xFFFFF086  }
0x1c: {  	p1 =	slt.u32 s9, $0xF7A;
	s5 =	simm.s32 @!p2 $0x0  }
0x1d: {  	s5 =	simm.s32 @p1 $0x1;
	p0 =	seq.s32 s7, s2  }
0x1e: {  	s7 =	smul.u32 @!p0 $0xF7A, s2;
	p2 =	seq.s32 @!p0 s5, $0x0  }
0x1f: {  	s9 =	smul.u32 $0xF7A, s1;
	s8 =	simm.s32 @!p0 $0x1BF5;
	p2 =	por !p2, p0  }
0x20: {  	[sflag:s8] =	ssyncset.s32 @!p0 $0xFFFFF086;
	s6 =	sadd.s32 @!p0 s3, s7;
	s7 =	simm.s32 @!p0 $0x108  }
0x21: {  	s3 =	sadd.s32 s3, s9;
	s6 =	sadd.s32 @!p0 $0x88, s6;
	s7 =	simm.s32 @p2 $0x1082  }
0x22: {  	[simem:s7], [sflag:s8] =	dma.local @!p0 [hbm:s6], $0xF7A  }
0x23: {  	s9 =	sor.u32 $0xD0000000, s2;
	s6 =	simm.s32 $0x108;
	_ =	swait.ge @!p0 [sflag:s8], $0x0  }
0x24: {  	s3 =	sadd.s32 $0x88, s3;
	s6 =	simm.s32 @!p1 $0x1082;
	[sflag:s4] =	ssyncset.s32 $0xFFFFF086  }
0x25: {  	[simem:s6], [sflag:s4] =	dma.local [hbm:s3], $0xF7A  }
0x26: {  	[smem:$0x3F9A] =	sst s1;
	(tag) =	ssettag s2;
	_ =	strace s9  }
0x27: {  	s1 =	sld [smem:$0x3FAA]  }
0x28: {  	s2 =	sld [smem:$0x3FAB]  }
0x29: {  	s4 =	sld [smem:$0x3FAD]  }
0x2a: {  	p0 =	seq.s32 s5, $0x0;
	s5 =	sld [smem:$0x3FAE]  }
0x2b: {  	s6 =	sld [smem:$0x3FAF]  }
0x2c: {  	s7 =	sld [smem:$0x3FB0]  }
0x2d: {  	s3 =	simm.s32 $0x108;
	s8 =	sld [smem:$0x3FB1]  }
0x2e: {  	s3 =	simm.s32 @!p0 $0x1082;
	s9 =	sld [smem:$0x3FB2]  }
0x2f: {  	lr =	sadd.s32 s0, s3;
	s0 =	sld [smem:$0x3FA9]  }
0x30: {  	s3 =	sld [smem:$0x3FAC]  }
0x31: {  	[smem:$0x3FB5] =	sst s10  }
0x32: {  	s10 =	sld [smem:$0x3FB3];
	_ =	sdelay $0x3  }
0x33: {  	p0 =	seq.s32 s10, $0x1;
	s10 =	sld [smem:$0x3FB5];
	_ =	sdelay $0x3  }
0x34: {  	[smem:$0x3FB5] =	sst s10  }
0x35: {  	s10 =	sld [smem:$0x3FB4];
	_ =	sdelay $0x3  }
0x36: {  	p1 =	seq.s32 s10, $0x1;
	s10 =	sld [smem:$0x3FB5];
	_ =	sdelay $0x3  }
0x37: {  	[smem:$0x3FB5] =	sst s10  }
0x38: {  	s10 =	sld [smem:$0x3FB6]  }
0x39: {  	_ = 	snop;
	(pc) =	sbr.ind lr, $3  }
0x3a: {  	_ = 	snop  }
0x3b: {  	_ = 	snop  }
0x3c: {  	p2 =	seq.s32 s10, $0x1;
	s10 =	sld [smem:$0x3FB5]  }
0x3d: {  	_ =	shalt  }
0x3e: {  	_ =	shalt  }
0x3f: {  	_ =	shalt  }
0x40: {  	_ =	shalt  }
0x41: {  	_ =	shalt  }
0x42: {  	_ =	shalt  }
0x43: {  	_ =	shalt  }
0x44: {  	_ =	shalt  }
0x45: {  	_ =	shalt  }
0x46: {  	_ =	shalt  }
0x47: {  	_ =	shalt  }
0x48: {  	_ =	shalt  }
0x49: {  	_ =	shalt  }
0x4a: {  	_ =	shalt  }
0x4b: {  	_ =	shalt  }
0x4c: {  	_ =	shalt  }
0x4d: {  	_ =	shalt  }
0x4e: {  	_ =	shalt  }
0x4f: {  	_ =	shalt  }
0x50: {  	_ =	shalt  }
0x51: {  	_ =	shalt  }
0x52: {  	_ =	shalt  }
0x53: {  	_ =	shalt  }
0x54: {  	_ =	shalt  }
0x55: {  	_ =	shalt  }
0x56: {  	_ =	shalt  }
0x57: {  	_ =	shalt  }
0x58: {  	_ =	shalt  }
0x59: {  	_ =	shalt  }
0x5a: {  	_ =	shalt  }
0x5b: {  	_ =	shalt  }
0x5c: {  	_ =	shalt  }
0x5d: {  	_ =	shalt  }
0x5e: {  	_ =	shalt  }
0x5f: {  	_ =	shalt  }
0x60: {  	_ =	shalt  }
0x61: {  	_ =	shalt  }
0x62: {  	_ =	shalt  }
0x63: {  	_ =	shalt  }
0x64: {  	_ =	shalt  }
0x65: {  	_ =	shalt  }
0x66: {  	_ =	shalt  }
0x67: {  	_ =	shalt  }
0x68: {  	_ =	shalt  }
0x69: {  	_ =	shalt  }
0x6a: {  	_ =	shalt  }
0x6b: {  	_ =	shalt  }
0x6c: {  	_ =	shalt  }
0x6d: {  	_ =	shalt  }
0x6e: {  	_ =	shalt  }
0x6f: {  	_ =	shalt  }
0x70: {  	_ =	shalt  }
0x71: {  	_ =	shalt  }
0x72: {  	_ =	shalt  }
0x73: {  	_ =	shalt  }
0x74: {  	_ =	shalt  }
0x75: {  	_ =	shalt  }
0x76: {  	_ =	shalt  }
0x77: {  	_ =	shalt  }
0x78: {  	_ =	shalt  }
0x79: {  	_ =	shalt  }
0x7a: {  	_ =	shalt  }
0x7b: {  	_ =	shalt  }
0x7c: {  	_ =	shalt  }
0x7d: {  	_ =	shalt  }
0x7e: {  	_ =	shalt  }
0x7f: {  	_ =	shalt  }
0x80: {  	_ =	shalt  }
0x81: {  	_ =	shalt  }
0x82: {  	_ =	shalt  }
0x83: {  	_ =	shalt  }
0x84: {  	_ =	shalt  }
0x85: {  	_ =	shalt  }
0x86: {  	_ =	shalt  }
0x87: {  	_ =	shalt  }
.Lfunc_end0:
.L_simem_size_0:
called_computation_lowered:
.L_overlay_start_0:
0x88: {  	s2 =	sld [smem:$0x3FD9]  }
0x89: {  	s3 =	sld [smem:$0x3FFE];
	_ =	sdelay $0x1  }
0x8a: {  	s1 =	srdreg.scid  }
0x8b: {  	s0 =	sand.u32 $0x1, s1  }
0x8c: {  	s17 =	sshll.u32 s0, $0xA;
	s2 =	sadd.s32 s3, s2  }
0x8d: {  	s2 =	sadd.s32 s2, s17  }
0x8e: {  	[smem:$0x3FC1] =	sst s2  }
0x8f: {  	_ = 	snop  }
0x90: {  	s2 =	sld [smem:$0x3FD0];
	(tm) =	ssettm $0x1  }
0x91: {  	s18 =	sld [smem:$0x3FFB];
	_ =	sdelay $0x3  }
0x92: {  	_ =	strace s18  }
0x93: {  	s3 =	sld [smem:$0x3FFC];
	_ =	sdelay $0x3  }
0x94: {  	_ =	strace s3  }
0x95: {  	s3 =	sld [smem:$0x3FFD];
	_ =	sdelay $0x3  }
0x96: {  	_ =	strace s3  }
0x97: {  	_ =	strace $0x8FFFFFFF  }
0x98: {  	s19 =	sld [smem:$0x3FDB];
	_ =	sdelay $0x1  }
0x99: {  	s4 =	simm.s32 $_scs_section_size  }
0x9a: {  	s5 =	simm.s32 $_size__tile_overlayer_lowered;
	s6 =	simm.s32 $_tile_overlayer_lowered  }
0x9b: {  	s22 =	simm.s32 $0x1BFF;
	s21 =	sshll.u32 s6, $0x1;
	s3 =	sadd.s32 s4, s19  }
0x9c: {  	s7 =	simm.s32 $0x0;
	s20 =	sshll.u32 s5, $0x1;
	s5 =	sadd.s32 s21, s3  }
0x9d: {  	[timem:s7], [sflag:s22] =	dma.local [hbm:s5], s20  }
0x9e: {  	_ =	swait.ge [sflag:s22], s20  }
0x9f: {  	s4 =	ssub.s32 $0x0, s20;
	[sflag:s22] =	ssyncset.done $0x0  }
0xa0: {  	[sflag:s22] =	ssyncadd.s32 s4;
	_ =	sdelay $0x1  }
0xa1: {  	s23 =	simm.s32 $0x1B8B  }
0xa2: {  	_ =	swait.ge [sflag:s23], $0x1  }
0xa3: {  	[sflag:s23] =	ssyncset.done $0x0  }
0xa4: {  	s25 =	simm.s32 $0x1B8E;
	s24 =	sld [smem:$0x3FFE];
	[sflag:s23] =	ssyncadd.s32 $0xFFFFFFFF  }
0xa5: {  	s26 =	simm.s32 $execute0_lowered;
	[smem:$0x3FD2] =	sst s25  }
0xa6: {  	s5 =	sshll.u32 s26, $0x1;
	_ =	strace $0x80000046;
	[dreg:$0x1] =	wrdreg $0xFFFFFFFF  }
0xa7: {  	s28 =	simm.s32 $_size_execute0_lowered;
	s3 =	sadd.s32 s3, s5;
	[dreg:$0x0] =	wrdreg $0x0  }
0xa8: {  	s5 =	sshll.u32 s28, $0x1;
	[dreg:$0x2] =	wrdreg s3  }
0xa9: {  	[dreg:$0x3] =	wrdreg s5  }
0xaa: {  	[dreg:$0x4] =	wrdreg $0xC0  }
0xab: {  	_ =	task [dreg:s7], $0x5FFFF  }
0xac: {  	[dreg:$0x1] =	wrdreg $0xFFFFFFFF  }
0xad: {  	[dreg:$0x0] =	wrdreg $0x60  }
0xae: {  	[dreg:$0x2] =	wrdreg s24  }
0xaf: {  	[dreg:$0x3] =	wrdreg s2  }
0xb0: {  	[dreg:$0x4] =	wrdreg $0x9  }
0xb1: {  	_ =	task.clear_ibuf [dreg:s7], $0x5FFFF;
	_ =	strace $0x90000046  }
0xb2: {  	s29 =	simm.s32 $0x9;
	_ =	strace $0x80000048  }
0xb3: {  	_ =	swait.ge [sflag:s29], $0x1  }
0xb4: {  	[sflag:s29] =	ssyncadd.s32 $0xFFFFFFFF  }
0xb5: {  	_ =	strace $0x90000048  }
0xb6: {  	_ =	sfence  }
0xb7: {  	s30 =	sld [smem:$0x0];
	_ =	sdelay $0x2  }
0xb8: {  	s31 =	sshll.u32 s1, $0xD;
	s1 =	sshrl.u32 s1, $0x2  }
0xb9: {  	s3 =	sand.u32 $0x4000, s31;
	s1 =	sadd.s32 s1, s30  }
0xba: {  	s0 =	sor.u32 s3, s0;
	s1 =	sshll.u32 s1, $0x11  }
0xbb: {  	s0 =	sor.u32 s1, s0  }
0xbc: {  	s0 =	sadd.s32 $0x8F2B, s0  }
0xbd: {  	[sflag:s0] =	ssyncadd.remote.s32 $0x1  }
0xbe: {  	_ =	sfence.sel $0xFFFF  }
0xbf: {  	[dreg:$0x0] =	wrdreg $0xFFFFFFFF;
	(pc) =	sbr.abs _section_cstart, $3  }
0xc0: {  	[dreg:$0x1] =	wrdreg $0xFFFFFFFF  }
0xc1: {  	_ =	task.clear_ibuf [dreg:s7], $0x2FFFF;
	_ =	strace $0x9FFFFFFF  }
0xc2: {  	(tm) =	ssettm $0x7FFFFFFF  }
0xc3: {  	_ =	shalt  }
tec
execute0_lowered:
.L_overlay_start_1:
0x0: {  	(tag) =	ssettag $0x1  }
0x1: {  	s1 =	srdreg.scid  }
0x2: {  	s0 =	stileid.u32;
	s5 =	rddreg [dreg:$0x0]  }
0x3: {  	s6 =	rddreg [dreg:$0x1];
	s2 =	simm.s32 $0x0;
	s4 =	sand.u32 $0x1, s1  }
0x4: {  	s7 =	simm.s32 $0x1;
	[smem:$0x7FF] =	sst s2;
	s1 =	sor.u32 s4, s0  }
0x5: {  	p1 =	seq.s32 s4, $0x1;
	_ =	strace $0x80000047;
	p0 =	seq.s32 s1, $0x0  }
0x6: {  	s8 =	sshll.u32 s4, $0x4;
	s4 =	ssub.s32 $0x2, s4;
	p0 =	por !p0, !p1  }
0x7: {  	v1 =	vlaneseq.u32;
	s10 =	sor.u32 $0xC0, s8;
	s11 =	sor.u32 $0x20, s8;
	p0 =	por !p0, !p0  }
0x8: {  	v63 =	vmul.u32 $0x2, v1;
	s15 =	sor.u32 $0x40, s8;
	s16 =	sor.u32 $0x60, s8;
	s7 =	simm.s32 @!p0 $0x0  }
0x9: {  	s17 =	sor.u32 $0x80, s8;
	s20 =	sshrl.u32 s4, $0x1;
	s7 =	ssub.s32 s0, s7  }
0xa: {  	v57 =	vor.u32 s8, v1;
	s18 =	sor.u32 $0xA0, s8;
	[tilespmem:$0x1FFF0] =	vst v63;
	v58 =	vor.u32 s11, v1;
	s11 =	ssub.s32 s4, s20;
	s9 =	smul.u32 $0x2700, s7  }
0xb: {  	s8 =	sadd.s32 s8, s5;
	v0 =	vor.u32 s10, v1;
	[tilespmem:$0x1FF80] =	vst v57;
	s31 =	smax.u32 s11, $0x1;
	s21 =	smul.u32 $0xF0, s7  }
0xc: {  	v61 =	vimm.s32 $0xECA86420;
	vm0 =	vcmask $0xB08;
	vm1 =	vcmask $0x1310;
	[tilespmem:$0x1FF70] =	vst v0;
	[dreg:$0x7] =	wrdreg s31;
	s12 =	smul.u32 $0xD00, s7;
	s22 =	sshll.u32 s7, $0x5  }
0xd: {  	vm2 =	vcmask $0x1B18;
	vm3 =	vcmask $0x300;
	v59 =	vor.u32 s15, v1;
	[tilespmem:$0x1FF90] =	vst v58;
	s25 =	sand.u32 $0x1FFFFFE0, s22;
	s9 =	sshrl.u32 s9, $0x3;
	s24 =	sshrl.u32 s21, $0x3  }
0xe: {  	vm4 =	vcmask $0x2320;
	v60 =	vor.u32 s16, v1;
	[tilespmem:$0x1FFA0] =	vst v59;
	v0 =	vunpack.c.l.s4.s8 v61;
	s12 =	sshrl.u32 s12, $0x3;
	s29 =	sadd.s32 s25, s8;
	s28 =	sadd.s32 s6, s24  }
0xf: {  	vm5 =	vcmask $0x2B28;
	vm6 =	vcmask $0x3330;
	v2 =	vor.u32 s17, v1;
	[tilespmem:$0x1FFB0] =	vst v60;
	s9 =	sadd.s32 s9, s5;
	s30 =	sadd.s32 $0x7200, s29;
	[dreg:$0x5] =	wrdreg s28  }
0x10: {  	vm7 =	vcmask $0x3B38;
	v62 =	vor.u32 s18, v1;
	[tilespmem:$0x1FFC0] =	vst v2;
	v0 =	vunpack.c.0.s8.s32 v0;
	s19 =	sadd.s32 s12, s5;
	s23 =	sadd.s32 $0xA00, s9;
	[dreg:$0x6] =	wrdreg s30  }
0x11: {  	vm8 =	vmmov $0xff;
	vm11 =	vcmask $0x1714;
	vm12 =	vcmask $0x1F1C;
	s10 =	simm.s32 $0x3400;
	[tilespmem:$0x1FFD0] =	vst v62;
	s26 =	sadd.s32 $0x5800, s19;
	[dreg:$0x3] =	wrdreg s23  }
0x12: {  	vm13 =	vcmask $0x2724;
	vm14 =	vcmask $0x2F2C;
	vm15 =	vcmask $0x3734;
	s15 =	simm.s32 $0x0;
	[tilespmem:$0x1FFE0] =	vst v0;
	s9 =	simm.s32 $0x2700;
	[dreg:$0x4] =	wrdreg s26  }
.LBB2_1:
0x13: {  	s0 =	rddreg [dreg:$0x3]  }
0x14: {  	[tilespmem:s2], [sflag:$0x1] =	stream.linear.gather [hbm4b:s0+s2], $0x2700, $0x38;
	[tilespmem:$0x3570] =	vst v63  }
0x15: {  	s8 =	rddreg [dreg:$0x4]  }
0x16: {  	[tilespmem:s9], [sflag:$0x2] =	stream.linear.gather [hbm4b:s8+s2], $0xD00, $0x38;
	[tilespmem:$0x3570] =	vst v63  }
0x17: {  	s11 =	rddreg [dreg:$0x5];
	s12 =	simm.s32 $0x3  }
0x18: {  	[tilespmem:s10], [sflag:$0x3] =	stream.linear.gather [hbm4b:s11+s2], $0xF0, $0x38;
	[tilespmem:$0x3570] =	vst v63  }
0x19: {  	_ =	swait.ge [sflag:s12], $0xF0  }
0x1a: {  	v0 =	vld [tilespmem:$0x1FF70];
	_ =	sdelay $0x5  }
0x1b: {  	[sflag:s12] =	ssyncset.done $0x0  }
0x1c: {  	[sflag:s12] =	ssyncadd.s32 $0xFFFFFF10  }
0x1d: {  	v0 =	vld.idx.msk [tilespmem:v0+s10+$0x0], $0xffff;
	_ =	sdelay $0x4  }
0x1e: {  	v0 =	vtrunc.f32 v0  }
0x1f: {  	v0 =	vcvt.f32.s32 v0;
	_ =	sdelay $0x1  }
0x20: {  	v13 =	vadd.s32 $0xFFFFFFFF, v0  }
0x21: {  	(v2sf) =	vpush v13, $0xD;
	_ =	sdelay $0x1  }
0x22: {  	(v2sf) =	vpush v13, $0xC;
	_ =	sdelay $0x1  }
0x23: {  	(v2sf) =	vpush v13, $0xE;
	_ =	sdelay $0x1  }
0x24: {  	(v2sf) =	vpush v13, $0xF;
	_ =	sdelay $0x1  }
0x25: {  	(v2sf) =	vpush v13, $0x9;
	_ =	sdelay $0x1  }
0x26: {  	(v2sf) =	vpush v13, $0x8;
	_ =	sdelay $0x1  }
0x27: {  	(v2sf) =	vpush v13, $0xA;
	_ =	sdelay $0x1  }
0x28: {  	(v2sf) =	vpush v13, $0xB  }
0x29: {  	s16 =	spop (v2sf)  }
0x2a: {  	(v2sf) =	vpush v13, $0x0;
	s17 =	smulhi.u32 $0x66666667, s16;
	s16 =	sshra.s32 s16, $0x1F  }
0x2b: {  	(v2sf) =	vpush v13, $0x1;
	s18 =	spop (v2sf);
	s16 =	smul.u32 $0x66666667, s16  }
0x2c: {  	s19 =	smulhi.u32 $0x66666667, s18;
	s18 =	sshra.s32 s18, $0x1F  }
0x2d: {  	(v2sf) =	vpush v13, $0x2;
	s20 =	spop (v2sf);
	s18 =	smul.u32 $0x66666667, s18  }
0x2e: {  	s22 =	smulhi.u32 $0x66666667, s20;
	s20 =	sshra.s32 s20, $0x1F  }
0x2f: {  	(v2sf) =	vpush v13, $0x3;
	s21 =	spop (v2sf);
	s20 =	smul.u32 $0x66666667, s20  }
0x30: {  	s26 =	smulhi.u32 $0x66666667, s21;
	s21 =	sshra.s32 s21, $0x1F  }
0x31: {  	(v2sf) =	vpush v13, $0x4;
	s23 =	spop (v2sf);
	s21 =	smul.u32 $0x66666667, s21  }
0x32: {  	s28 =	smulhi.u32 $0x66666667, s23;
	s23 =	sshra.s32 s23, $0x1F  }
0x33: {  	(v2sf) =	vpush v13, $0x5;
	s24 =	spop (v2sf);
	s23 =	smul.u32 $0x66666667, s23  }
0x34: {  	(v2sf) =	vpush v13, $0x6;
	s17 =	sadd.s32 s16, s17;
	s1 =	smulhi.u32 $0x66666667, s24;
	s24 =	sshra.s32 s24, $0x1F  }
0x35: {  	(v2sf) =	vpush v13, $0x7;
	s19 =	sadd.s32 s18, s19;
	s25 =	spop (v2sf);
	s24 =	smul.u32 $0x66666667, s24  }
0x36: {  	s12 =	sshrl.u32 s19, $0x1F;
	s5 =	smulhi.u32 $0x66666667, s25;
	s25 =	sshra.s32 s25, $0x1F  }
0x37: {  	s18 =	sadd.s32 s20, s22;
	s29 =	spop (v2sf);
	s7 =	smul.u32 $0x66666667, s25  }
0x38: {  	s16 =	sadd.s32 s21, s26;
	s3 =	smulhi.u32 $0x66666667, s29;
	s29 =	sshra.s32 s29, $0x1F  }
0x39: {  	s30 =	spop (v2sf);
	s23 =	sadd.s32 s23, s28;
	s29 =	smul.u32 $0x66666667, s29  }
0x3a: {  	s31 =	spop (v2sf);
	s11 =	smulhi.u32 $0x66666667, s30;
	s13 =	sshra.s32 s30, $0x1F  }
0x3b: {  	s30 =	sshrl.u32 s17, $0x1F;
	s24 =	sadd.s32 s24, s1;
	s13 =	smul.u32 $0x66666667, s13  }
0x3c: {  	s0 =	spop (v2sf);
	s22 =	smulhi.u32 $0x66666667, s31;
	s14 =	sshra.s32 s31, $0x1F  }
0x3d: {  	s31 =	sshrl.u32 s18, $0x1F;
	s21 =	sadd.s32 s7, s5;
	s26 =	smul.u32 $0x66666667, s14  }
0x3e: {  	v1 =	vmov s12;
	s4 =	spop (v2sf);
	s28 =	smulhi.u32 $0x66666667, s0;
	s0 =	sshra.s32 s0, $0x1F  }
0x3f: {  	v1 =	vsel vm0, s30, v1;
	s14 =	sshrl.u32 s16, $0x1F;
	s20 =	sadd.s32 s29, s3;
	s0 =	smul.u32 $0x66666667, s0  }
0x40: {  	v1 =	vsel vm1, s31, v1;
	s6 =	spop (v2sf);
	s1 =	smulhi.u32 $0x66666667, s4;
	s4 =	sshra.s32 s4, $0x1F  }
0x41: {  	s5 =	sadd.s32 s13, s11;
	s11 =	sshrl.u32 s23, $0x1F;
	v1 =	vsel vm2, s14, v1;
	s14 =	sshra.s32 s24, $0x3  }
0x42: {  	s3 =	smul.u32 $0x66666667, s4;
	s13 =	sadd.s32 s26, s22;
	s8 =	spop (v2sf)  }
0x43: {  	s26 =	smulhi.u32 $0x66666667, s6;
	s6 =	sshra.s32 s6, $0x1F;
	s25 =	spop (v2sf)  }
0x44: {  	s0 =	sadd.s32 s0, s28;
	s6 =	smul.u32 $0x66666667, s6;
	s7 =	spop (v2sf)  }
0x45: {  	s28 =	sshrl.u32 s24, $0x1F;
	s29 =	smulhi.u32 $0x66666667, s7;
	s4 =	sshra.s32 s7, $0x1F  }
0x46: {  	s24 =	sshra.s32 s17, $0x3;
	s1 =	sadd.s32 s3, s1;
	s4 =	smul.u32 $0x66666667, s4  }
0x47: {  	s30 =	sshrl.u32 s0, $0x1F;
	s12 =	smulhi.u32 $0x66666667, s8;
	s8 =	sshra.s32 s8, $0x1F  }
0x48: {  	s6 =	sadd.s32 s6, s26;
	s8 =	smul.u32 $0x66666667, s8;
	s22 =	sadd.s32 s4, s29  }
0x49: {  	vm9 =	vcmask $0x704;
	v3 =	vmov s28;
	s26 =	sshra.s32 s5, $0x3;
	s3 =	smulhi.u32 $0x66666667, s25;
	s29 =	sshra.s32 s22, $0x1F  }
0x4a: {  	v4 =	vmov s14;
	v3 =	vsel vm0, s11, v3;
	s31 =	sshra.s32 s25, $0x1F;
	s4 =	sshrl.u32 s21, $0x1F;
	v0 =	vmov s29;
	s29 =	sshrl.u32 s5, $0x1F  }
0x4b: {  	s7 =	sshrl.u32 s20, $0x1F;
	s28 =	smul.u32 $0x66666667, s31;
	v3 =	vsel vm1, s4, v3;
	s5 =	sshra.s32 s5, $0x1F;
	v0 =	vsel vm3, s26, v0;
	v2 =	vmov s29  }
0x4c: {  	s25 =	sshra.s32 s0, $0x3;
	v3 =	vsel vm2, s7, v3;
	s26 =	sshrl.u32 s13, $0x1F;
	s29 =	sshra.s32 s13, $0x3;
	v0 =	vsel vm9, s5, v0;
	v2 =	vnsel vm3, $0x0, v2  }
0x4d: {  	s0 =	sshra.s32 s0, $0x1F;
	s3 =	sadd.s32 s28, s3;
	s13 =	sshra.s32 s13, $0x1F;
	vm9 =	vcmask $0xF0C;
	v0 =	vsel vm0, s29, v0;
	v2 =	vsel vm0, s26, v2  }
0x4e: {  	s28 =	sshra.s32 s18, $0x3;
	v1 =	vcombine.low v3, v1;
	s26 =	sshrl.u32 s1, $0x1F;
	v0 =	vsel vm9, s13, v0;
	v2 =	vsel vm1, s30, v2;
	s13 =	sshra.s32 s19, $0x3  }
0x4f: {  	s5 =	sadd.s32 s8, s12;
	s8 =	sshra.s32 s1, $0x1F;
	s29 =	sshrl.u32 s6, $0x1F;
	v0 =	vsel vm1, s25, v0;
	v2 =	vsel vm2, s26, v2;
	v3 =	vmov s13  }
0x50: {  	s31 =	sshrl.u32 s5, $0x1F;
	s30 =	sshra.s32 s1, $0x3;
	s25 =	sshra.s32 s23, $0x3;
	v0 =	vsel vm11, s0, v0;
	v2 =	vsel vm4, s29, v2;
	v3 =	vsel vm0, s24, v3  }
0x51: {  	s12 =	sshra.s32 s6, $0x3;
	s26 =	sshra.s32 s5, $0x3;
	v4 =	vsel vm0, s25, v4;
	s29 =	sshra.s32 s21, $0x3;
	v0 =	vsel vm2, s30, v0;
	v2 =	vsel vm5, s31, v2  }
0x52: {  	s30 =	sshra.s32 s5, $0x1F;
	v3 =	vsel vm1, s28, v3;
	s31 =	sshra.s32 s16, $0x3;
	v4 =	vsel vm1, s29, v4;
	s5 =	sshra.s32 s20, $0x3;
	v0 =	vsel vm12, s8, v0  }
0x53: {  	v5 =	vld [tilespmem:$0x1FFF0];
	s19 =	sshra.s32 s6, $0x1F;
	v3 =	vsel vm2, s31, v3;
	v4 =	vsel vm2, s5, v4;
	v0 =	vsel vm4, s12, v0  }
0x54: {  	v3 =	vcombine.low v4, v3;
	v4 =	vld [tilespmem:$0x1FFE0];
	v0 =	vsel vm13, s19, v0  }
0x55: {  	v0 =	vsel vm5, s26, v0  }
0x56: {  	s11 =	sshrl.u32 s3, $0x1F;
	s6 =	sshra.s32 s3, $0x3;
	v0 =	vsel vm14, s30, v0  }
0x57: {  	s7 =	sshrl.u32 s22, $0x1F;
	v2 =	vsel vm6, s11, v2;
	s8 =	sshra.s32 s3, $0x1F;
	v0 =	vsel vm6, s6, v0  }
0x58: {  	s11 =	sshra.s32 s22, $0x3;
	v2 =	vsel vm7, s7, v2;
	v0 =	vsel vm15, s8, v0  }
0x59: {  	v2 =	vperm.xlane v2, v5;
	v1 =	vperm.xlane v1, v4;
	v0 =	vsel vm7, s11, v0  }
0x5a: {  	v3 =	vperm.xlane v3, v4;
	v0 =	vperm.xlane v0, v5;
	_ =	sdelay $0x1  }
0x5b: {  	v1 =	vsel vm8, v2, v1;
	v0 =	vsel vm8, v0, v3  }
0x5c: {  	v0 =	vadd.s32 v1, v0;
	v1 =	vimm.s32 $0xE2;
	_ =	sdelay $0x4  }
0x5d: {  	v1 =	vld.idx.msk [tilespmem:v1+s10+$0x0], $0xffff;
	_ =	sdelay $0x4  }
0x5e: {  	[tilespmem:$0x1FE90] =	vst v1;
	v1 =	vld [tilespmem:$0x1FF80];
	_ =	sdelay $0x7  }
0x5f: {  	v46 =	vld.idx.msk [tilespmem:v1+s10+$0x0], $0xffff  }
0x60: {  	v1 =	vld [tilespmem:$0x1FF90];
	_ =	sdelay $0x7  }
0x61: {  	v47 =	vld.idx.msk [tilespmem:v1+s10+$0x0], $0xffff  }
0x62: {  	v1 =	vld [tilespmem:$0x1FFA0];
	_ =	sdelay $0x4  }
0x63: {  	v0 =	vmul.u32 $0x14, v0  }
0x64: {  	v2 =	vimm.s32 $0xE1  }
0x65: {  	v0 =	vsub.s32 v13, v0  }
0x66: {  	vm9 =	vlt.s32 v0, $0x0;
	v48 =	vld.idx.msk [tilespmem:v1+s10+$0x0], $0xffff;
	v1 =	vadd.s32 $0x14, v0  }
0x67: {  	v1 =	vsel vm9, v1, v0;
	v0 =	vld [tilespmem:$0x1FFC0];
	_ =	sdelay $0x1  }
0x68: {  	v2 =	vld.idx.msk [tilespmem:v2+s10+$0x0], $0xffff;
	_ =	sdelay $0x2  }
0x69: {  	v4 =	vimm.s32 $0xE0;
	_ =	sdelay $0x1  }
0x6a: {  	[tilespmem:$0x1FE80] =	vst v2;
	v2 =	vld [tilespmem:$0x1FFB0]  }
0x6b: {  	v39 =	vld.idx.msk [tilespmem:v0+s10+$0x0], $0xffff  }
0x6c: {  	v0 =	vld [tilespmem:$0x1FFD0]  }
0x6d: {  	v4 =	vld.idx.msk [tilespmem:v4+s10+$0x0], $0xffff;
	_ =	sdelay $0x4  }
0x6e: {  	[tilespmem:$0x1FE70] =	vst v4  }
0x6f: {  	s12 =	simm.s32 $0x1;
	v43 =	vld.idx.msk [tilespmem:v2+s10+$0x0], $0xffff;
	[tilespmem:$0x1FEA0] =	vst v1;
	v14 =	vmul.u32 $0x51, v1  }
0x70: {  	v35 =	vld.idx.msk [tilespmem:v0+s10+$0x0], $0xffff;
	_ =	swait.ge [sflag:s12], $0x2700  }
0x71: {  	s13 =	simm.s32 $0xD02;
	v0 =	vadd.s32 s2, v14;
	[sflag:s12] =	ssyncset.done $0x0  }
0x72: {  	s14 =	simm.s32 $0x2;
	s16 =	simm.s32 $0x2;
	v1 =	vadd.s32 s13, v14;
	[sflag:s12] =	ssyncadd.s32 $0xFFFFD900  }
0x73: {  	s17 =	simm.s32 $0x682;
	v2 =	vadd.s32 s16, v14;
	_ =	swait.ge [sflag:s14], $0xD00  }
0x74: {  	s18 =	simm.s32 $0xD01;
	v3 =	vadd.s32 s17, v14;
	[sflag:s14] =	ssyncset.done $0x0  }
0x75: {  	v4 =	vadd.s32 s18, v14;
	[sflag:s14] =	ssyncadd.s32 $0xFFFFF300  }
0x76: {  	v5 =	vld.idx.msk [tilespmem:v0+s2+$0x0], $0xffff  }
0x77: {  	s19 =	simm.s32 $0x2082;
	v1 =	vld.idx.msk [tilespmem:v1+s2+$0x0], $0xffff  }
0x78: {  	s21 =	simm.s32 $0x2081;
	v6 =	vadd.s32 s19, v14;
	v7 =	vld.idx.msk [tilespmem:v2+s9+$0x0], $0xffff  }
0x79: {  	s22 =	simm.s32 $0x1382;
	v10 =	vadd.s32 s21, v14;
	v9 =	vld.idx.msk [tilespmem:v3+s9+$0x0], $0xffff  }
0x7a: {  	s23 =	simm.s32 $0x1A02;
	v11 =	vadd.s32 s22, v14;
	v4 =	vld.idx.msk [tilespmem:v4+s2+$0x0], $0xffff  }
0x7b: {  	s24 =	simm.s32 $0x2080;
	v12 =	vadd.s32 s23, v14;
	v2 =	vld.idx.msk [tilespmem:v2+s2+$0x0], $0xffff  }
0x7c: {  	s25 =	simm.s32 $0x1A01;
	v13 =	vadd.s32 s24, v14;
	v3 =	vld.idx.msk [tilespmem:v3+s2+$0x0], $0xffff  }
0x7d: {  	s26 =	simm.s32 $0x1A00;
	v15 =	vadd.s32 s25, v14;
	v6 =	vld.idx.msk [tilespmem:v6+s2+$0x0], $0xffff  }
0x7e: {  	s28 =	simm.s32 $0x1381;
	v16 =	vmul.f32 $5.000000000e-01, v43;
	v18 =	vadd.s32 s26, v14;
	v10 =	vld.idx.msk [tilespmem:v10+s2+$0x0], $0xffff  }
0x7f: {  	s29 =	simm.s32 $0x1380;
	v20 =	vadd.s32 s28, v14;
	v11 =	vld.idx.msk [tilespmem:v11+s2+$0x0], $0xffff  }
0x80: {  	v26 =	vsub.f32 v46, v16;
	v21 =	vadd.s32 s29, v14;
	s17 =	simm.s32 $0x1;
	v17 =	vmul.f32 $5.000000000e-01, v39;
	v12 =	vld.idx.msk [tilespmem:v12+s2+$0x0], $0xffff  }
0x81: {  	s30 =	simm.s32 $0x681;
	v28 =	vadd.f32 v16, v46;
	v16 =	vadd.s32 s17, v14;
	v19 =	vmul.f32 $5.000000000e-01, v35;
	v13 =	vld.idx.msk [tilespmem:v13+s2+$0x0], $0xffff  }
0x82: {  	s31 =	simm.s32 $0x680;
	v25 =	vsub.f32 v47, v17;
	v27 =	vadd.f32 v17, v47;
	v17 =	vadd.s32 s30, v14;
	v15 =	vld.idx.msk [tilespmem:v15+s2+$0x0], $0xffff  }
0x83: {  	v22 =	vadd.s32 s31, v14;
	v18 =	vld.idx.msk [tilespmem:v18+s2+$0x0], $0xffff;
	v29 =	vsub.f32 v48, v19;
	v30 =	vadd.f32 v19, v48  }
0x84: {  	v23 =	vsub.f32 v27, v25;
	v20 =	vld.idx.msk [tilespmem:v20+s2+$0x0], $0xffff  }
0x85: {  	v21 =	vld.idx.msk [tilespmem:v21+s2+$0x0], $0xffff;
	v19 =	vsub.f32 v28, v26;
	v24 =	vsub.f32 v30, v29  }
0x86: {  	v33 =	vld.idx.msk [tilespmem:v16+s2+$0x0], $0xffff;
	v31 =	vsub.f32 v5, v46;
	v32 =	vsub.f32 v6, v35  }
0x87: {  	s20 =	simm.s32 $0xD00;
	v54 =	vld.idx.msk [tilespmem:v17+s2+$0x0], $0xffff;
	v34 =	vsub.f32 v10, v35;
	v37 =	vsub.f32 v12, v39  }
0x88: {  	v8 =	vadd.s32 s20, v14;
	[tilespmem:$0x1FEC0] =	vst v35;
	v36 =	vld.idx.msk [tilespmem:v22+s2+$0x0], $0xffff;
	v35 =	vsub.f32 v13, v35;
	v38 =	vsub.f32 v15, v39  }
0x89: {  	v23 =	vmax.f32 v23, $0.0e+00;
	[tilespmem:$0x1FED0] =	vst v39;
	v16 =	vld.idx.msk [tilespmem:v16+s9+$0x0], $0xffff;
	v39 =	vsub.f32 v18, v39;
	v40 =	vsub.f32 v11, v43  }
0x8a: {  	v17 =	vld.idx.msk [tilespmem:v17+s9+$0x0], $0xffff;
	v19 =	vmax.f32 v19, $0.0e+00;
	v41 =	vsub.f32 v20, v43;
	v42 =	vsub.f32 v1, v48  }
0x8b: {  	v19 =	vmul.f32 v23, v19;
	v23 =	vsub.f32 v21, v43;
	v44 =	vsub.f32 v4, v48  }
0x8c: {  	v0 =	vld.idx.msk [tilespmem:v0+s9+$0x0], $0xffff;
	v24 =	vmax.f32 v24, $0.0e+00;
	v55 =	vsub.f32 v2, v46;
	v45 =	vsub.f32 v3, v47  }
0x8d: {  	[tilespmem:$0x1FF20] =	vst v47;
	v22 =	vld.idx.msk [tilespmem:v22+s9+$0x0], $0xffff;
	v5 =	vmax.f32 v5, $0.0e+00;
	v56 =	vsub.f32 v36, v47;
	v47 =	vsub.f32 v54, v47  }
0x8e: {  	v1 =	vmax.f32 v1, $0.0e+00;
	v4 =	vmax.f32 v4, $0.0e+00;
	v7 =	vsub.f32 v7, v9  }
0x8f: {  	v2 =	vmax.f32 v2, $0.0e+00;
	v9 =	vsub.f32 v16, v17;
	v3 =	vmax.f32 v3, $0.0e+00  }
0x90: {  	v6 =	vmax.f32 v6, $0.0e+00;
	v16 =	vmax.f32 v33, $0.0e+00;
	v17 =	vmax.f32 v54, $0.0e+00  }
0x91: {  	v10 =	vmax.f32 v10, $0.0e+00;
	v11 =	vmax.f32 v11, $0.0e+00;
	v12 =	vmax.f32 v12, $0.0e+00  }
0x92: {  	v0 =	vsub.f32 v0, v22;
	v22 =	vmax.f32 v36, $0.0e+00;
	v13 =	vmax.f32 v13, $0.0e+00  }
0x93: {  	v20 =	vmax.f32 v20, $0.0e+00;
	v19 =	vmul.f32 v24, v19;
	v6 =	vmul.f32 $5.000000000e-01, v6  }
0x94: {  	v15 =	vmax.f32 v15, $0.0e+00;
	v10 =	vmul.f32 $5.000000000e-01, v10;
	v11 =	vmul.f32 $5.000000000e-01, v11  }
0x95: {  	v21 =	vmax.f32 v21, $0.0e+00;
	v13 =	vmul.f32 $5.000000000e-01, v13;
	v12 =	vmul.f32 $5.000000000e-01, v12  }
0x96: {  	v8 =	vld.idx.msk [tilespmem:v8+s2+$0x0], $0xffff;
	v18 =	vmax.f32 v18, $0.0e+00;
	v20 =	vmul.f32 $5.000000000e-01, v20;
	v15 =	vmul.f32 $5.000000000e-01, v15  }
0x97: {  	v24 =	vsub.f32 v33, v46;
	v21 =	vmul.f32 $5.000000000e-01, v21;
	v18 =	vmul.f32 $5.000000000e-01, v18  }
0x98: {  	v31 =	vand.u32 $0x7FFFFFFF, v31;
	v32 =	vand.u32 $0x7FFFFFFF, v32;
	v57 =	vand.u32 $0x7FFFFFFF, v35  }
0x99: {  	v58 =	vand.u32 $0x7FFFFFFF, v38;
	v59 =	vand.u32 $0x7FFFFFFF, v37;
	v38 =	vand.u32 $0x7FFFFFFF, v39  }
0x9a: {  	v60 =	vand.u32 $0x7FFFFFFF, v55;
	v61 =	vand.u32 $0x7FFFFFFF, v47;
	v62 =	vand.u32 $0x7FFFFFFF, v45;
	[tilespmem:$0x1FEF0] =	vst v19  }
0x9b: {  	v63 =	vand.u32 $0x7FFFFFFF, v56;
	v19 =	vsub.f32 v8, v48;
	[tilespmem:$0x1FF30] =	vst v32;
	v32 =	vadd.f32 v62, v60  }
0x9c: {  	v39 =	vand.u32 $0x7FFFFFFF, v40;
	v31 =	vadd.f32 v63, v31;
	v33 =	vsub.f32 v1, v6  }
0x9d: {  	v40 =	vand.u32 $0x7FFFFFFF, v41;
	v35 =	vsub.f32 v4, v10;
	v36 =	vadd.f32 v6, v1  }
0x9e: {  	[tilespmem:$0x1FEE0] =	vst v43;
	v43 =	vand.u32 $0x7FFFFFFF, v23;
	v10 =	vadd.f32 v10, v4;
	v60 =	vsub.f32 v2, v11  }
0x9f: {  	v47 =	vmul.f32 $1.442695020e+00, v0;
	v23 =	vsub.f32 v3, v12;
	v62 =	vadd.f32 v12, v3  }
0xa0: {  	v8 =	vmax.f32 v8, $0.0e+00;
	v53 =	vsub.f32 v16, v20;
	v50 =	vsub.f32 v17, v15  }
0xa1: {  	[tilespmem:$0x1FF60] =	vst v59;
	v24 =	vand.u32 $0x7FFFFFFF, v24;
	v59 =	vadd.f32 v20, v16;
	v51 =	vsub.f32 v5, v21  }
0xa2: {  	v1 =	vand.u32 $0x7FFFFFFF, v42;
	v54 =	vadd.f32 v15, v17;
	v49 =	vsub.f32 v22, v18  }
0xa3: {  	[tilespmem:$0x1FF40] =	vst v57;
	v4 =	vmul.f32 $1.442695020e+00, v7;
	v57 =	vadd.f32 v21, v5;
	v52 =	vadd.f32 v18, v22  }
0xa4: {  	v6 =	vmul.f32 $1.442695020e+00, v9;
	v24 =	vadd.f32 v61, v24;
	v61 =	vadd.f32 v11, v2  }
0xa5: {  	v2 =	vand.u32 $0x7FFFFFFF, v44;
	v37 =	vsub.f32 v8, v13;
	v8 =	vadd.f32 v13, v8  }
0xa6: {  	v3 =	vand.u32 $0x7FFFFFFF, v19;
	(erf) = vpow2.f32 v4;
	v42 =	vadd.f32 v1, v32  }
0xa7: {  	v11 =	vmax.f32 v36, v30;
	v12 =	vmax.f32 v10, v30;
	v1 =	vmin.f32 v35, v29  }
0xa8: {  	[tilespmem:$0x1FF00] =	vst v48;
	v0 =	vmin.f32 v36, v30;
	v4 =	vmax.f32 v33, v29;
	v7 =	vmin.f32 v60, v26  }
0xa9: {  	[tilespmem:$0x1FF50] =	vst v58;
	v48 =	vsub.f32 v36, v33;
	v56 =	vmin.f32 v10, v30;
	v58 =	vmax.f32 v35, v29  }
0xaa: {  	v18 =	vmax.f32 v60, v26;
	v55 =	vsub.f32 v10, v35;
	(erf) = vpow2.f32 v6  }
0xab: {  	v13 =	vmin.f32 v62, v27;
	v19 =	vmax.f32 v23, v25;
	v63 =	vsub.f32 v62, v23  }
0xac: {  	v36 =	vimm.s32 $0x0;
	v20 =	vmax.f32 v59, v28;
	v22 =	vmin.f32 v53, v26  }
0xad: {  	v21 =	vmax.f32 v54, v27;
	v9 =	vsub.f32 v54, v50;
	v45 =	vadd.f32 v3, v31  }
0xae: {  	v41 =	vadd.f32 v2, v24;
	v2 =	vmin.f32 v33, v29;
	v5 =	vmax.f32 v61, v28  }
0xaf: {  	v3 =	vmax.f32 v62, v27;
	v6 =	vmin.f32 v23, v25;
	v15 =	vmax.f32 v8, v30  }
0xb0: {  	v16 =	vmin.f32 v37, v29;
	v17 =	vmin.f32 v61, v28;
	v61 =	vsub.f32 v61, v60  }
0xb1: {  	v62 =	vmin.f32 v8, v30;
	v60 =	vsub.f32 v8, v37;
	v10 =	vmax.f32 v37, v29  }
0xb2: {  	[tilespmem:$0x1FF10] =	vst v46;
	v37 =	vimm.f32 $+Inf;
	v23 =	vmin.f32 v50, v25;
	v24 =	vmax.f32 v57, v28;
	v44 =	vpop (erf)  }
0xb3: {  	s19 =	simm.s32 $0x3;
	s18 =	simm.s32 $0x0;
	[tilespmem:$0x1FEB0] =	vst v34;
	v31 =	vmin.f32 v51, v26;
	v33 =	vmax.f32 v52, v27;
	v8 =	vsub.f32 v59, v53;
	v46 =	vpop (erf)  }
.LBB2_2:
0xb4: {  	v32 =	vsub.f32 v57, v51;
	v1 =	vsub.f32 v12, v1  }
0xb5: {  	v59 =	vmin.f32 v59, v28;
	v2 =	vsub.f32 v11, v2;
	v0 =	vsub.f32 v0, v4  }
0xb6: {  	v11 =	vmax.f32 v53, v26;
	v4 =	vsub.f32 v5, v7;
	v5 =	vsub.f32 v15, v16  }
0xb7: {  	v7 =	vmin.f32 v54, v27;
	v3 =	vsub.f32 v3, v6;
	v6 =	vmax.f32 v50, v25  }
0xb8: {  	v12 =	vsub.f32 v56, v58;
	v15 =	vsub.f32 v20, v22;
	v16 =	vmin.f32 v57, v28  }
0xb9: {  	v20 =	vsub.f32 v21, v23;
	v17 =	vsub.f32 v17, v18;
	v18 =	vmax.f32 v51, v26  }
0xba: {  	v10 =	vsub.f32 v62, v10;
	v13 =	vsub.f32 v13, v19;
	v19 =	vmin.f32 v52, v27  }
0xbb: {  	v21 =	vsub.f32 v24, v31;
	v34 =	vsub.f32 v52, v49;
	v35 =	vmin.f32 v49, v25  }
0xbc: {  	v23 =	vmax.f32 v49, v25;
	v11 =	vsub.f32 v59, v11;
	v6 =	vsub.f32 v7, v6  }
0xbd: {  	v7 =	vsub.f32 v16, v18;
	(erf) = vpow2.f32 v47;
	v18 =	vadd.f32 v43, v45  }
0xbe: {  	v24 =	vmax.f32 v60, $0.0e+00;
	v31 =	vmax.f32 v61, $0.0e+00;
	v50 =	vmax.f32 v63, $0.0e+00  }
0xbf: {  	v8 =	vmax.f32 v8, $0.0e+00;
	v9 =	vmax.f32 v9, $0.0e+00;
	v22 =	vsub.f32 v33, v35  }
0xc0: {  	v16 =	vsub.f32 v19, v23;
	v19 =	vmax.f32 v55, $0.0e+00;
	v23 =	vmax.f32 v48, $0.0e+00  }
0xc1: {  	v32 =	vmax.f32 v32, $0.0e+00;
	v1 =	vmax.f32 v1, $0.0e+00;
	v2 =	vmax.f32 v2, $0.0e+00  }
0xc2: {  	v4 =	vmax.f32 v4, $0.0e+00;
	v3 =	vmax.f32 v3, $0.0e+00;
	v15 =	vmax.f32 v15, $0.0e+00  }
0xc3: {  	v20 =	vmax.f32 v20, $0.0e+00;
	v17 =	vmax.f32 v17, $0.0e+00;
	v21 =	vmax.f32 v21, $0.0e+00  }
0xc4: {  	v31 =	vmul.f32 v50, v31;
	v13 =	vmax.f32 v13, $0.0e+00;
	v8 =	vmul.f32 v9, v8  }
0xc5: {  	v34 =	vmax.f32 v34, $0.0e+00;
	v9 =	vmax.f32 v11, $0.0e+00;
	v3 =	vmul.f32 v3, v4  }
0xc6: {  	v7 =	vmax.f32 v7, $0.0e+00;
	v15 =	vmul.f32 v20, v15;
	v16 =	vmax.f32 v16, $0.0e+00  }
0xc7: {  	v6 =	vmax.f32 v6, $0.0e+00;
	v13 =	vmul.f32 v13, v17;
	v7 =	vmul.f32 v16, v7  }
0xc8: {  	v10 =	vmax.f32 v10, $0.0e+00;
	v11 =	vmul.f32 v34, v32;
	v6 =	vmul.f32 v6, v9  }
0xc9: {  	v22 =	vmax.f32 v22, $0.0e+00;
	v8 =	vmul.f32 v19, v8;
	v7 =	vmul.f32 v10, v7;
	v10 =	vld [tilespmem:$0x1FEF0]  }
0xca: {  	v0 =	vmax.f32 v0, $0.0e+00;
	v17 =	vmul.f32 v22, v21;
	v2 =	vmul.f32 v2, v3  }
0xcb: {  	v5 =	vmax.f32 v5, $0.0e+00;
	v1 =	vmul.f32 v1, v15;
	v0 =	vmul.f32 v0, v13  }
0xcc: {  	v13 =	vadd.f32 $1.000000000e+00, v46;
	v9 =	vmul.f32 v24, v11;
	v11 =	vmul.f32 v23, v31  }
0xcd: {  	v3 =	vmul.f32 v5, v17;
	v5 =	vmax.f32 v12, $0.0e+00;
	v15 =	vmax.f32 v1, $1.000000010e-07  }
0xce: {  	v5 =	vmul.f32 v5, v6;
	v4 =	vpop (erf);
	v9 =	vadd.f32 v9, v10;
	v6 =	vadd.f32 v8, v10  }
0xcf: {  	v19 =	vmax.f32 v2, $1.000000010e-07;
	v4 =	vadd.f32 $1.000000000e+00, v4;
	v8 =	vadd.f32 v11, v10  }
0xd0: {  	v11 =	vmax.f32 v3, $1.000000010e-07;
	v9 =	vsub.f32 v9, v7;
	v6 =	vsub.f32 v6, v5  }
0xd1: {  	(erf) = vrcp.f32 v4;
	v8 =	vsub.f32 v8, v0;
	v0 =	vmul.f32 v19, v0  }
0xd2: {  	v10 =	vmax.f32 v9, $1.000000010e-07;
	v16 =	vmax.f32 v6, $1.000000010e-07;
	v1 =	vsub.f32 v1, v6  }
0xd3: {  	v3 =	vsub.f32 v3, v9;
	v9 =	vld [tilespmem:$0x1FF60];
	v12 =	vmul.f32 v10, v11;
	v4 =	vmul.f32 v16, v15  }
0xd4: {  	s26 =	sadd.s32 $0x1A00, s19;
	v2 =	vsub.f32 v2, v8;
	v15 =	vmul.f32 v15, v5;
	v1 =	vmul.f32 v16, v1  }
0xd5: {  	v16 =	vadd.s32 s26, v14;
	(erf) = vrcp.f32 v12;
	v12 =	vmax.f32 v8, $1.000000010e-07  }
0xd6: {  	s25 =	sadd.s32 $0x1A01, s19;
	(erf) = vrcp.f32 v13;
	v13 =	vadd.f32 v39, v42;
	v20 =	vmul.f32 v12, v19  }
0xd7: {  	v61 =	vld [tilespmem:$0x1FED0];
	v12 =	vmul.f32 v12, v2;
	v1 =	vsub.f32 v15, v1;
	v15 =	vadd.s32 s25, v14  }
0xd8: {  	s23 =	sadd.s32 $0x1A02, s19;
	v17 =	vadd.f32 $1.000000000e+00, v44;
	v9 =	vadd.f32 v9, v13;
	v13 =	vld [tilespmem:$0x1FF40]  }
0xd9: {  	v6 =	vld [tilespmem:$0x1FF30];
	(erf) = vrcp.f32 v4;
	v0 =	vsub.f32 v0, v12;
	v12 =	vadd.s32 s23, v14  }
0xda: {  	(erf) = vrcp.f32 v17;
	v17 =	vld [tilespmem:$0x1FEB0]  }
0xdb: {  	s30 =	sadd.s32 $0x681, s19;
	v4 =	vadd.f32 v38, v18;
	v16 =	vld.idx.msk [tilespmem:v16+s2+$0x0], $0xffff  }
0xdc: {  	(erf) = vrcp.f32 v20;
	v20 =	vadd.s32 s30, v14;
	v15 =	vld.idx.msk [tilespmem:v15+s2+$0x0], $0xffff  }
0xdd: {  	v4 =	vadd.f32 v13, v4;
	v13 =	vld [tilespmem:$0x1FF50]  }
0xde: {  	s31 =	sadd.s32 $0x680, s19;
	v12 =	vld.idx.msk [tilespmem:v12+s2+$0x0], $0xffff  }
0xdf: {  	v57 =	vld [tilespmem:$0x1FF20];
	v21 =	vadd.s32 s31, v14;
	v3 =	vmul.f32 v10, v3;
	v18 =	vadd.f32 v40, v41  }
0xe0: {  	v10 =	vld [tilespmem:$0x1FE70];
	v6 =	vadd.f32 v6, v9;
	v38 =	vsub.f32 v16, v61;
	v16 =	vmax.f32 v16, $0.0e+00  }
0xe1: {  	v17 =	vand.u32 $0x7FFFFFFF, v17;
	v31 =	vld.idx.msk [tilespmem:v20+s2+$0x0], $0xffff;
	v16 =	vmul.f32 $5.000000000e-01, v16;
	v35 =	vsub.f32 v15, v61  }
0xe2: {  	v15 =	vmax.f32 v15, $0.0e+00;
	v13 =	vadd.f32 v13, v18;
	v18 =	vmul.f32 v11, v7;
	v11 =	vld [tilespmem:$0x1FE80]  }
0xe3: {  	s28 =	sadd.s32 $0x1381, s19;
	v15 =	vmul.f32 $5.000000000e-01, v15;
	v7 =	vpop (erf);
	v32 =	vsub.f32 v12, v61;
	v12 =	vmax.f32 v12, $0.0e+00  }
0xe4: {  	s29 =	sadd.s32 $0x1380, s19;
	v9 =	vpop (erf);
	v3 =	vsub.f32 v18, v3;
	v8 =	vadd.f32 v17, v13;
	v17 =	vadd.s32 s28, v14  }
0xe5: {  	v12 =	vmul.f32 $5.000000000e-01, v12;
	v13 =	vmul.f32 v7, v10;
	v5 =	vpop (erf);
	v18 =	vadd.s32 s29, v14  }
0xe6: {  	v38 =	vand.u32 $0x7FFFFFFF, v38;
	v5 =	vmul.f32 v5, v10;
	v2 =	vpop (erf);
	v3 =	vmul.f32 v9, v3;
	v9 =	vld [tilespmem:$0x1FE90]  }
0xe7: {  	s21 =	sadd.s32 $0x2081, s19;
	v62 =	vld [tilespmem:$0x1FEE0];
	v61 =	vsub.f32 v31, v57;
	v1 =	vmul.f32 v2, v1;
	v2 =	vpop (erf);
	v4 =	vmul.f32 v4, v11  }
0xe8: {  	s22 =	sadd.s32 $0x1382, s19;
	v59 =	vld [tilespmem:$0x1FEC0];
	v8 =	vmul.f32 v8, v11;
	v2 =	vmul.f32 v2, v10;
	v7 =	vpop (erf);
	v10 =	vadd.s32 s21, v14  }
0xe9: {  	s0 =	sadd.s32 $0xD02, s19;
	v6 =	vmul.f32 v6, v11;
	v11 =	vadd.s32 s22, v14;
	v0 =	vmul.f32 v7, v0;
	v17 =	vld.idx.msk [tilespmem:v17+s2+$0x0], $0xffff  }
0xea: {  	s1 =	sadd.s32 $0x682, s19;
	v7 =	vadd.s32 s0, v14;
	v4 =	vsub.f32 v4, v13;
	v5 =	vsub.f32 v8, v5;
	v18 =	vld.idx.msk [tilespmem:v18+s2+$0x0], $0xffff  }
0xeb: {  	s24 =	sadd.s32 $0x2080, s19;
	v52 =	vld [tilespmem:$0x1FF00];
	v8 =	vadd.s32 s1, v14;
	v3 =	vmul.f32 v3, v9;
	v1 =	vmul.f32 v1, v9  }
0xec: {  	v33 =	vld.idx.msk [tilespmem:v21+s2+$0x0], $0xffff;
	v2 =	vsub.f32 v6, v2;
	v13 =	vadd.s32 s24, v14;
	v0 =	vmul.f32 v0, v9  }
0xed: {  	s14 =	sadd.s32 $0x2, s19;
	s3 =	sadd.s32 $0xD01, s19;
	v10 =	vld.idx.msk [tilespmem:v10+s2+$0x0], $0xffff;
	v3 =	vsub.f32 v4, v3;
	v4 =	vadd.s32 s19, v14;
	v1 =	vsub.f32 v5, v1  }
0xee: {  	v11 =	vld.idx.msk [tilespmem:v11+s2+$0x0], $0xffff;
	v5 =	vadd.s32 s14, v14;
	v0 =	vsub.f32 v2, v0;
	v2 =	vadd.s32 s3, v14  }
0xef: {  	v7 =	vld.idx.msk [tilespmem:v7+s2+$0x0], $0xffff;
	v40 =	vsub.f32 v17, v62;
	v54 =	vsub.f32 v18, v62;
	v17 =	vmax.f32 v17, $0.0e+00  }
0xf0: {  	v9 =	vld.idx.msk [tilespmem:v8+s9+$0x0], $0xffff;
	v18 =	vmax.f32 v18, $0.0e+00;
	vm9 =	vlt.f32 v3, v37;
	v17 =	vmul.f32 $5.000000000e-01, v17  }
0xf1: {  	v13 =	vld.idx.msk [tilespmem:v13+s2+$0x0], $0xffff;
	v18 =	vmul.f32 $5.000000000e-01, v18;
	v3 =	vsel vm9, v3, v37;
	v6 =	vsel vm9, s18, v36  }
0xf2: {  	v8 =	vld.idx.msk [tilespmem:v8+s2+$0x0], $0xffff;
	v40 =	vand.u32 $0x7FFFFFFF, v40;
	v43 =	vand.u32 $0x7FFFFFFF, v54;
	vm9 =	vlt.f32 v1, v3  }
0xf3: {  	v21 =	vld.idx.msk [tilespmem:v21+s9+$0x0], $0xffff;
	v60 =	vsub.f32 v10, v59;
	v63 =	vsub.f32 v11, v62;
	v10 =	vmax.f32 v10, $0.0e+00  }
0xf4: {  	v11 =	vmax.f32 v11, $0.0e+00;
	v1 =	vsel vm9, v1, v3;
	v3 =	vsel vm9, s17, v6;
	v6 =	vld.idx.msk [tilespmem:v4+s2+$0x0], $0xffff  }
0xf5: {  	v2 =	vld.idx.msk [tilespmem:v2+s2+$0x0], $0xffff;
	v53 =	vsub.f32 v7, v52;
	v7 =	vmax.f32 v7, $0.0e+00;
	v10 =	vmul.f32 $5.000000000e-01, v10  }
0xf6: {  	v4 =	vld.idx.msk [tilespmem:v4+s9+$0x0], $0xffff;
	v11 =	vmul.f32 $5.000000000e-01, v11;
	vm9 =	vlt.f32 v0, v1;
	v34 =	vsub.f32 v13, v59  }
0xf7: {  	s20 =	sadd.s32 $0xD00, s19;
	v51 =	vld [tilespmem:$0x1FF10];
	[tilespmem:$0x1FEB0] =	vst v60;
	v58 =	vsub.f32 v8, v57;
	v60 =	vsub.f32 v33, v57;
	v0 =	vsel vm9, v0, v1  }
0xf8: {  	s17 =	sadd.s32 $0x2082, s19;
	v8 =	vmax.f32 v8, $0.0e+00;
	v1 =	vld.idx.msk [tilespmem:v5+s9+$0x0], $0xffff;
	[tilespmem:$0x1FE50] =	vst v0;
	v0 =	vsel vm9, s16, v3;
	v3 =	vadd.s32 s20, v14  }
0xf9: {  	v13 =	vmax.f32 v13, $0.0e+00;
	v39 =	vand.u32 $0x7FFFFFFF, v63;
	[tilespmem:$0x1FE60] =	vst v0;
	v0 =	vadd.s32 s17, v14;
	s17 =	sadd.s32 $0x1, s19  }
0xfa: {  	v5 =	vld.idx.msk [tilespmem:v5+s2+$0x0], $0xffff;
	v13 =	vmul.f32 $5.000000000e-01, v13;
	v62 =	vand.u32 $0x7FFFFFFF, v58;
	v19 =	vadd.s32 s17, v14  }
0xfb: {  	v63 =	vand.u32 $0x7FFFFFFF, v60;
	v60 =	vsub.f32 v8, v12;
	v8 =	vadd.f32 v12, v8  }
0xfc: {  	v20 =	vld.idx.msk [tilespmem:v20+s9+$0x0], $0xffff;
	v22 =	vsub.f32 v6, v51;
	v55 =	vsub.f32 v2, v52;
	v6 =	vmax.f32 v6, $0.0e+00  }
0xfd: {  	v4 =	vsub.f32 v4, v21;
	v21 =	vmax.f32 v33, $0.0e+00;
	v1 =	vsub.f32 v1, v9;
	v3 =	vld.idx.msk [tilespmem:v3+s2+$0x0], $0xffff  }
0xfe: {  	v2 =	vmax.f32 v2, $0.0e+00;
	v33 =	vand.u32 $0x7FFFFFFF, v53;
	v49 =	vsub.f32 v21, v16;
	v0 =	vld.idx.msk [tilespmem:v0+s2+$0x0], $0xffff  }
0xff: {  	v57 =	vadd.f32 v18, v6;
	v56 =	vsub.f32 v5, v51;
	v1 =	vmul.f32 $1.442695020e+00, v1;
	v23 =	vld.idx.msk [tilespmem:v19+s2+$0x0], $0xffff  }
0x100: {  	v5 =	vmax.f32 v5, $0.0e+00;
	v22 =	vand.u32 $0x7FFFFFFF, v22;
	v47 =	vmul.f32 $1.442695020e+00, v4;
	v19 =	vld.idx.msk [tilespmem:v19+s9+$0x0], $0xffff  }
0x101: {  	v22 =	vadd.f32 v63, v22;
	v63 =	vsub.f32 v8, v60;
	(erf) = vpow2.f32 v1  }
0x102: {  	v46 =	vsub.f32 v3, v52;
	v3 =	vmax.f32 v3, $0.0e+00;
	v52 =	vadd.f32 v16, v21  }
0x103: {  	v24 =	vsub.f32 v0, v59;
	v0 =	vmax.f32 v0, $0.0e+00;
	v36 =	vsub.f32 v3, v13  }
0x104: {  	v37 =	vadd.f32 v13, v3;
	v13 =	vmin.f32 v8, v27;
	v59 =	vsub.f32 v23, v51  }
0x105: {  	v9 =	vsub.f32 v19, v20;
	v19 =	vmax.f32 v23, $0.0e+00;
	v20 =	vmax.f32 v31, $0.0e+00  }
0x106: {  	v0 =	vmul.f32 $5.000000000e-01, v0;
	v31 =	vand.u32 $0x7FFFFFFF, v61;
	v61 =	vadd.f32 v11, v5  }
0x107: {  	v51 =	vsub.f32 v6, v18;
	v6 =	vmin.f32 v60, v25;
	v53 =	vsub.f32 v19, v17  }
0x108: {  	v23 =	vand.u32 $0x7FFFFFFF, v24;
	v50 =	vsub.f32 v20, v15;
	v54 =	vadd.f32 v15, v20  }
0x109: {  	v15 =	vmax.f32 v37, v30;
	v16 =	vmin.f32 v36, v29;
	[tilespmem:$0x1FF30] =	vst v23;
	v23 =	vand.u32 $0x7FFFFFFF, v34  }
0x10a: {  	v24 =	vand.u32 $0x7FFFFFFF, v59;
	v34 =	vadd.f32 v0, v7;
	v3 =	vmul.f32 $1.442695020e+00, v9  }
0x10b: {  	v59 =	vadd.f32 v17, v19;
	v17 =	vmin.f32 v61, v28;
	v19 =	vmax.f32 v60, v25  }
0x10c: {  	v60 =	vsub.f32 v37, v36;
	[tilespmem:$0x1FF40] =	vst v23;
	v23 =	vand.u32 $0x7FFFFFFF, v35;
	v24 =	vadd.f32 v31, v24  }
0x10d: {  	v31 =	vsub.f32 v7, v0;
	v35 =	vsub.f32 v5, v11;
	v0 =	vand.u32 $0x7FFFFFFF, v55  }
0x10e: {  	v5 =	vmax.f32 v61, v28;
	v21 =	vmax.f32 v54, v27;
	v9 =	vsub.f32 v54, v50  }
0x10f: {  	[tilespmem:$0x1FF50] =	vst v23;
	v23 =	vand.u32 $0x7FFFFFFF, v32;
	v32 =	vsub.f32 v2, v10;
	v10 =	vadd.f32 v10, v2  }
0x110: {  	v2 =	vand.u32 $0x7FFFFFFF, v46;
	(erf) = vpow2.f32 v3;
	v11 =	vmax.f32 v34, v30  }
0x111: {  	v3 =	vmax.f32 v8, v27;
	v20 =	vmax.f32 v59, v28;
	v8 =	vsub.f32 v59, v53  }
0x112: {  	[tilespmem:$0x1FF60] =	vst v23;
	v23 =	vand.u32 $0x7FFFFFFF, v56;
	v45 =	vadd.f32 v2, v22;
	v41 =	vadd.f32 v0, v24  }
0x113: {  	v2 =	vmin.f32 v31, v29;
	v0 =	vmin.f32 v34, v30;
	v4 =	vmax.f32 v31, v29  }
0x114: {  	p0 =	slt.u32 s19, $0x4E;
	v7 =	vmin.f32 v35, v26;
	v48 =	vsub.f32 v34, v31;
	v22 =	vmin.f32 v53, v26  }
.Ltmp0:
0x115: {  	v18 =	vmax.f32 v35, v26;
	v61 =	vsub.f32 v61, v35;
	v24 =	vmax.f32 v57, v28;
	(pc) =	sbr.rel @p0 .LBB2_2-.Ltmp0, $4  }
0x116: {  	v31 =	vmin.f32 v51, v26;
	v23 =	vadd.f32 v62, v23;
	v12 =	vmax.f32 v10, v30  }
0x117: {  	v1 =	vmin.f32 v32, v29;
	v56 =	vmin.f32 v10, v30;
	v58 =	vmax.f32 v32, v29  }
0x118: {  	v44 =	vpop (erf);
	v55 =	vsub.f32 v10, v32;
	v62 =	vmin.f32 v37, v30;
	v10 =	vmax.f32 v36, v29;
	v37 =	vld [tilespmem:$0x1FE50]  }
0x119: {  	s18 =	smov.u32 s19;
	s16 =	smov.u32 s14;
	s19 =	sadd.s32 $0x3, s19;
	v36 =	vld [tilespmem:$0x1FE60];
	v42 =	vadd.f32 v33, v23;
	v23 =	vmin.f32 v50, v25;
	v33 =	vmax.f32 v52, v27;
	v46 =	vpop (erf)  }
0x11a: {  	v1 =	vsub.f32 v12, v1;
	v2 =	vsub.f32 v11, v2  }
0x11b: {  	v0 =	vsub.f32 v0, v4;
	v4 =	vsub.f32 v5, v7  }
0x11c: {  	v5 =	vsub.f32 v15, v16;
	v3 =	vsub.f32 v3, v6  }
0x11d: {  	v6 =	vsub.f32 v20, v22;
	v7 =	vsub.f32 v21, v23  }
0x11e: {  	v11 =	vsub.f32 v17, v18;
	v59 =	vmin.f32 v59, v28;
	v29 =	vmin.f32 v57, v28  }
0x11f: {  	v30 =	vsub.f32 v57, v51;
	v32 =	vmax.f32 v53, v26;
	v34 =	vmax.f32 v51, v26  }
0x120: {  	v13 =	vsub.f32 v13, v19;
	v19 =	vsub.f32 v24, v31;
	v35 =	vmin.f32 v49, v25  }
0x121: {  	v51 =	vmin.f32 v54, v27;
	v53 =	vmin.f32 v52, v27;
	v54 =	vsub.f32 v52, v49  }
0x122: {  	v57 =	vmax.f32 v50, v25;
	(erf) = vpow2.f32 v47;
	v28 =	vmax.f32 v61, $0.0e+00  }
0x123: {  	v8 =	vmax.f32 v8, $0.0e+00;
	v9 =	vmax.f32 v9, $0.0e+00;
	v10 =	vsub.f32 v62, v10  }
0x124: {  	v61 =	vmax.f32 v48, $0.0e+00;
	v62 =	vsub.f32 v56, v58;
	v26 =	vadd.f32 $1.000000000e+00, v46  }
0x125: {  	v20 =	vsub.f32 v33, v35;
	v12 =	vsub.f32 v59, v32;
	v59 =	vmax.f32 v49, v25  }
0x126: {  	v17 =	vsub.f32 v51, v57;
	v15 =	vsub.f32 v29, v34;
	v29 =	vmax.f32 v63, $0.0e+00  }
0x127: {  	v8 =	vmul.f32 v9, v8;
	v27 =	vsub.f32 v53, v59;
	v21 =	vmul.f32 v29, v28  }
0x128: {  	v30 =	vmax.f32 v30, $0.0e+00;
	v31 =	vmax.f32 v54, $0.0e+00;
	v4 =	vmax.f32 v4, $0.0e+00  }
0x129: {  	v3 =	vmax.f32 v3, $0.0e+00;
	v32 =	vmax.f32 v6, $0.0e+00;
	v33 =	vmax.f32 v7, $0.0e+00  }
0x12a: {  	v34 =	vmax.f32 v11, $0.0e+00;
	v35 =	vmax.f32 v13, $0.0e+00;
	v49 =	vmax.f32 v19, $0.0e+00  }
0x12b: {  	v53 =	vmax.f32 v60, $0.0e+00;
	v60 =	vmax.f32 v55, $0.0e+00;
	v10 =	vmax.f32 v10, $0.0e+00  }
0x12c: {  	v1 =	vmax.f32 v1, $0.0e+00;
	v5 =	vmax.f32 v5, $0.0e+00;
	v0 =	vmax.f32 v0, $0.0e+00  }
0x12d: {  	v63 =	vld [tilespmem:$0x1FEF0];
	v19 =	vmax.f32 v62, $0.0e+00;
	v9 =	vmul.f32 v31, v30;
	v3 =	vmul.f32 v3, v4  }
0x12e: {  	v2 =	vmax.f32 v2, $0.0e+00;
	v4 =	vmul.f32 v33, v32;
	v47 =	vmul.f32 v35, v34  }
0x12f: {  	v50 =	vmax.f32 v20, $0.0e+00;
	v54 =	vmax.f32 v15, $0.0e+00;
	v57 =	vmax.f32 v27, $0.0e+00  }
0x130: {  	v12 =	vmax.f32 v12, $0.0e+00;
	v9 =	vmul.f32 v53, v9;
	v59 =	vmul.f32 v57, v54  }
0x131: {  	v51 =	vmax.f32 v17, $0.0e+00;
	v8 =	vmul.f32 v60, v8;
	v7 =	vmul.f32 v50, v49  }
0x132: {  	v52 =	vmul.f32 v51, v12;
	v10 =	vmul.f32 v10, v59;
	v9 =	vadd.f32 v9, v63  }
0x133: {  	v32 =	vadd.f32 $1.000000000e+00, v44;
	v13 =	vmul.f32 v61, v21;
	v5 =	vmul.f32 v5, v7  }
0x134: {  	v7 =	vmul.f32 v19, v52;
	v8 =	vadd.f32 v8, v63;
	v9 =	vsub.f32 v9, v10  }
0x135: {  	v1 =	vmul.f32 v1, v4;
	v0 =	vmul.f32 v0, v47;
	v23 =	vmax.f32 v5, $1.000000010e-07;
	v20 =	vpop (erf)  }
0x136: {  	v8 =	vsub.f32 v8, v7;
	v21 =	vadd.f32 $1.000000000e+00, v20;
	v22 =	vmax.f32 v9, $1.000000010e-07  }
0x137: {  	v2 =	vmul.f32 v2, v3;
	v24 =	vadd.f32 v13, v63;
	v25 =	vmul.f32 v22, v23  }
0x138: {  	v27 =	vmax.f32 v1, $1.000000010e-07;
	v28 =	vmax.f32 v8, $1.000000010e-07;
	(erf) = vrcp.f32 v21  }
0x139: {  	v44 =	vld [tilespmem:$0x1FF40];
	v30 =	vsub.f32 v24, v0;
	v29 =	vmul.f32 v28, v27;
	(erf) = vrcp.f32 v25  }
0x13a: {  	v46 =	vld [tilespmem:$0x1FF50];
	v31 =	vadd.f32 v43, v45;
	v35 =	vadd.f32 v39, v42;
	(erf) = vrcp.f32 v26  }
0x13b: {  	v49 =	vld [tilespmem:$0x1FEB0];
	v34 =	vmax.f32 v2, $1.000000010e-07;
	v33 =	vmax.f32 v30, $1.000000010e-07;
	(erf) = vrcp.f32 v29  }
0x13c: {  	v43 =	vld [tilespmem:$0x1FF60];
	v12 =	vadd.f32 v38, v31;
	v39 =	vmul.f32 v33, v34;
	v5 =	vsub.f32 v5, v9  }
0x13d: {  	v42 =	vadd.f32 v40, v41;
	v52 =	vld [tilespmem:$0x1FE80];
	v10 =	vmul.f32 v23, v10;
	(erf) = vrcp.f32 v32  }
0x13e: {  	v51 =	vld [tilespmem:$0x1FF30];
	v6 =	vadd.f32 v44, v12;
	v5 =	vmul.f32 v22, v5;
	(erf) = vrcp.f32 v39  }
0x13f: {  	v53 =	vld [tilespmem:$0x1FE70];
	v1 =	vsub.f32 v1, v8;
	v9 =	vadd.f32 v46, v42  }
0x140: {  	v7 =	vmul.f32 v27, v7;
	v5 =	vsub.f32 v10, v5;
	v10 =	vand.u32 $0x7FFFFFFF, v49  }
0x141: {  	v55 =	vld [tilespmem:$0x1FE90];
	v2 =	vsub.f32 v2, v30;
	v1 =	vmul.f32 v28, v1;
	v9 =	vadd.f32 v10, v9;
	v45 =	vpop (erf)  }
0x142: {  	v0 =	vmul.f32 v34, v0;
	v8 =	vadd.f32 v43, v35;
	v6 =	vmul.f32 v6, v52;
	v47 =	vpop (erf)  }
0x143: {  	v2 =	vmul.f32 v33, v2;
	v1 =	vsub.f32 v7, v1;
	v54 =	vmul.f32 v9, v52;
	v48 =	vpop (erf)  }
0x144: {  	v4 =	vmul.f32 v45, v53;
	v3 =	vmul.f32 v47, v5;
	v5 =	vadd.f32 v51, v8;
	v50 =	vpop (erf)  }
0x145: {  	v0 =	vsub.f32 v0, v2;
	v7 =	vmul.f32 v48, v53;
	v1 =	vmul.f32 v50, v1  }
0x146: {  	v4 =	vsub.f32 v6, v4;
	v3 =	vmul.f32 v3, v55;
	v5 =	vmul.f32 v5, v52;
	v56 =	vpop (erf)  }
0x147: {  	v2 =	vsub.f32 v54, v7;
	v6 =	vmul.f32 v56, v53;
	v57 =	vpop (erf);
	v1 =	vmul.f32 v1, v55  }
0x148: {  	v3 =	vsub.f32 v4, v3;
	v0 =	vmul.f32 v57, v0  }
0x149: {  	v59 =	vlaneseq.u32;
	v58 =	vsub.f32 v5, v6;
	v1 =	vsub.f32 v2, v1  }
0x14a: {  	vm9 =	vlt.f32 v3, v37;
	v0 =	vmul.f32 v0, v55;
	v2 =	vmul.u32 $0x8, v59  }
0x14b: {  	v63 =	vld [tilespmem:$0x1FEA0];
	v3 =	vsel vm9, v3, v37  }
0x14c: {  	vm10 =	vlt.f32 v1, v3;
	v0 =	vsub.f32 v58, v0;
	v60 =	vor.u32 $0x1, v2  }
0x14d: {  	v61 =	vsel vm9, s18, v36;
	v1 =	vsel vm10, v1, v3  }
0x14e: {  	v62 =	vsel vm10, s17, v61;
	vm9 =	vlt.f32 v0, v1  }
0x14f: {  	s1 =	simm.s32 $0x34F0;
	v0 =	vsel vm9, s16, v62  }
0x150: {  	[tilespmem:v2+s1+$0x0] =	vst.idx.msk $0xffff, v63;
	v0 =	vadd.s32 v14, v0  }
0x151: {  	s0 =	rddreg [dreg:$0x6];
	s30 =	simm.s32 $0x4;
	[tilespmem:v60+s1+$0x0] =	vst.idx.msk $0xffff, v0  }
0x152: {  	[hbm4b:s0+s2] =	stream.linear.scatter [tilespmem:s1], [sflag:$0x4], $0x80, $0x38;
	[tilespmem:$0x3570] =	vst v63  }
0x153: {  	_ =	swait.ge [sflag:s30], $0x80  }
0x154: {  	s15 =	sadd.s32 $0x1, s15;
	s31 =	rddreg [dreg:$0x7]  }
0x155: {  	p0 =	sne.s32 s15, s31  }
.Ltmp1:
0x156: {  	_ = 	snop;
	(pc) =	sbr.rel @p0 .LBB2_1-.Ltmp1, $3  }
0x157: {  	_ =	sdelay $0x1  }
0x158: {  	[sflag:s30] =	ssyncset.done $0x0  }
0x159: {  	[sflag:s30] =	ssyncadd.s32 $0xFFFFFF80  }
0x15a: {  	_ =	sfence.sel $0x180000  }
0x15b: {  	[bflag:$0x0] =	sbarrier.arrive $0xFFFF  }
0x15c: {  	_ =	strace $0x90000047  }
0x15d: {  	s0 =	stileid.u32;
	[bflag:$0x2] =	sbarrier.arrive $0xFFFF  }
0x15e: {  	p0 =	sne.s32 s0, $0x0;
	s0 =	rddreg [dreg:$0x2]  }
0x15f: {  	s0 =	sadd.s32 @!p0 $0x100000, s0  }
0x160: {  	[sflag:s0] =	ssyncadd.tile.s32 @!p0 $0x1;
	_ =	shalt  }
.Lfunc_end2:
_tile_overlayer_lowered:
.L_overlay_start_2:
0x161: {  	(tag) =	ssettag $0x2  }
0x162: {  	s0 =	rddreg [dreg:$0x0];
	s2 =	stileid.u32  }
0x163: {  	s1 =	rddreg [dreg:$0x1];
	p0 =	sne.s32 s2, $0x0  }
0x164: {  	s3 =	rddreg [dreg:$0x2];
	[bflag:$0x3] =	sbarrier.arrive $0xFFFF;
	s2 =	simm.s32 @!p0 $0x1C04  }
0x165: {  	[timem:s3], [sflag:s2] =	dma.local @!p0 [hbm:s0], s1  }
0x166: {  	s0 =	simm.s32 @!p0 $0x4  }
0x167: {  	_ =	swait.ge @!p0 [sflag:s0], s1  }
0x168: {  	s1 =	ssub.s32 @!p0 $0x0, s1;
	[sflag:s0] =	ssyncset.done @!p0 $0x0  }
0x169: {  	[sflag:s0] =	ssyncadd.s32 @!p0 s1  }
0x16a: {  	[bflag:$0x3] =	sbarrier.arrive $0xFFFF  }
0x16b: {  	_ =	shalt  }

</sc_bundles>
